<compile_context>
chip_gen: v7x
topology: tpu7x:2x2x1
jax: 0.10.2.dev20260603
libtpu: 0.0.44.dev20260713+nightly
codegen_flags: <defaults>
</compile_context>

<pallas_src>
import jax
import jax.numpy as jnp
from jax import lax
from jax.experimental import pallas as pl
from jax.experimental.pallas import tpu as pltpu
from jax.experimental.pallas import tpu_sc as plsc

HIDDEN = 128
MAX_POS = 1000
NUM_K = 4

_info = plsc.get_sparse_core_info()
_NC, _NS, _L = _info.num_cores, _info.num_subcores, _info.num_lanes
_NW = _NC * _NS

N_ROWS = 1024 * 200
ROWS_PER_W = N_ROWS // _NW
CHUNK = 128
N_CHUNKS = ROWS_PER_W // CHUNK
N_PAIRS = N_CHUNKS // 2


SLOTS = 4
N_FULL_ROUNDS = N_CHUNKS // SLOTS
N_LEFTOVER = N_CHUNKS - N_FULL_ROUNDS * SLOTS


def _sc_body(xt_hbm, yt_hbm, ht_hbm, wt_hbm, bboxw_hbm, out_hbm,
             idx_all, sh_tab, outv0, outv1, outv2, outv3,
             gsem0, gsem1, gsem2, gsem3,
             osem0, osem1, osem2, osem3):
    sid = lax.axis_index("s")
    wid = sid * _NC + lax.axis_index("c")
    base_row_w = wid * ROWS_PER_W
    hbm_tabs = (xt_hbm, yt_hbm, ht_hbm, wt_hbm)
    outs = (outv0, outv1, outv2, outv3)
    gsems = (gsem0, gsem1, gsem2, gsem3)
    osems = (osem0, osem1, osem2, osem3)

    @pl.when(sid == 0)
    def _():
        for k in range(NUM_K):
            pltpu.sync_copy(hbm_tabs[k],
                            sh_tab.at[pl.ds(k * MAX_POS, MAX_POS)])

    pltpu.sync_copy(bboxw_hbm.at[wid], idx_all)
    plsc.subcore_barrier()
    sh_tabs = tuple(sh_tab.at[pl.ds(k * MAX_POS, MAX_POS)]
                    for k in range(NUM_K))
    tabs_by_slot = (sh_tabs, sh_tabs, hbm_tabs, hbm_tabs)

    def fire(c, b, k):
        pltpu.async_copy(tabs_by_slot[b][k].at[idx_all.at[k * N_CHUNKS + c]],
                         outs[b], gsems[b], add=(k > 0))

    def gather_wait(b):
        pltpu.make_async_copy(tabs_by_slot[b][0].at[idx_all.at[0]], outs[b],
                              gsems[b]).wait()

    def store(c, b):
        row_base = base_row_w + c * CHUNK
        pltpu.async_copy(outs[b], out_hbm.at[pl.ds(row_base, CHUNK)],
                         osems[b])

    def store_wait(b):
        pltpu.make_async_copy(outs[b], out_hbm.at[pl.ds(0, CHUNK)],
                              osems[b]).wait()

    def round_(p, with_store_wait, nslots=SLOTS):
        cs = [p * SLOTS + b for b in range(nslots)]
        if with_store_wait:
            for b in range(nslots):
                store_wait(b)
        for b in range(nslots):
            fire(cs[b], b, 0)
        for k in range(1, NUM_K):
            for b in range(nslots):
                gather_wait(b)
                fire(cs[b], b, k)
        for b in range(nslots):
            gather_wait(b)
            store(cs[b], b)

    round_(0, False)

    def round_body(p, _):
        round_(p, True)
        return 0

    lax.fori_loop(1, N_FULL_ROUNDS, round_body, 0, unroll=False)

    if N_LEFTOVER:
        round_(N_FULL_ROUNDS, True, nslots=N_LEFTOVER)

    for b in range(SLOTS):
        store_wait(b)


@jax.jit
def kernel(bbox, x_table, y_table, h_table, w_table):
    bboxw = (bbox.astype(jnp.int32)
             .transpose(2, 0, 1)
             .reshape(NUM_K, _NW, N_CHUNKS, CHUNK)
             .transpose(1, 0, 2, 3)
             .reshape(_NW, NUM_K * N_CHUNKS, CHUNK))

    mesh = plsc.VectorSubcoreMesh(core_axis_name="c", subcore_axis_name="s")
    run = pl.kernel(
        _sc_body,
        out_type=jax.ShapeDtypeStruct((N_ROWS, HIDDEN), jnp.float32),
        mesh=mesh,
        scratch_types=[
            pltpu.VMEM((NUM_K * N_CHUNKS, CHUNK), jnp.int32),
            pltpu.VMEM_SHARED((NUM_K * MAX_POS, HIDDEN), jnp.float32),
        ] + [pltpu.VMEM((CHUNK, HIDDEN), jnp.float32)] * SLOTS
          + [pltpu.SemaphoreType.DMA] * (2 * SLOTS),
    )
    out = run(x_table, y_table, h_table, w_table, bboxw)
    return out.reshape(1024, 200, HIDDEN)

# --- scband reference (transcript-rebuilt; emitter-appended) ---
"""Pipeline reference for scband-spatial-embeddings-34909494182563 (READ-ONLY COPY).

The authoritative reference and input builder live on the scoring server;
editing this copy changes nothing except your own understanding.
"""

import jax, jax.numpy as jnp
import numpy as np

HIDDEN = 128
MAX_POS = 1000
B, L = 1024, 200

def setup_inputs(seed: int = 0) -> dict:
    key = jax.random.key(seed)
    k_bbox, k_x, k_y, k_h, k_w = jax.random.split(key, 5)
    bbox = jax.random.randint(k_bbox, (B, L, 4), 0, MAX_POS, dtype=jnp.int64 if jax.config.jax_enable_x64 else jnp.int32)
    x_table = jax.random.normal(k_x, (MAX_POS, HIDDEN), dtype=jnp.float32) * 0.02
    y_table = jax.random.normal(k_y, (MAX_POS, HIDDEN), dtype=jnp.float32) * 0.02
    h_table = jax.random.normal(k_h, (MAX_POS, HIDDEN), dtype=jnp.float32) * 0.02
    w_table = jax.random.normal(k_w, (MAX_POS, HIDDEN), dtype=jnp.float32) * 0.02
    return {"bbox": bbox, "x_table": x_table, "y_table": y_table, "h_table": h_table, "w_table": w_table}

def reference(bbox, x_table, y_table, h_table, w_table):
    bbox = jnp.clip(bbox, 0, MAX_POS - 1).astype(jnp.int32)
    x_emb = jnp.take(x_table, bbox[:, :, 0], axis=0)
    y_emb = jnp.take(y_table, bbox[:, :, 1], axis=0)
    h_emb = jnp.take(h_table, bbox[:, :, 2], axis=0)
    w_emb = jnp.take(w_table, bbox[:, :, 3], axis=0)
    return x_emb + y_emb + h_emb + w_emb

if __name__ == "__main__":
    import jax
    _d = setup_inputs()
    print(jax.jit(kernel)(*tuple(_d.values())))

</pallas_src>

<mosaic_0001>
#map = affine_map<(d0, d1) -> (0, 0)>
#map1 = affine_map<(d0, d1) -> (0, 0, 0)>
module attributes {stable_mosaic.version = 14 : i64} {
  func.func @_sc_body(%arg0: i32, %arg1: i32, %arg2: memref<1000x128xf32, #tpu.memory_space<hbm>>, %arg3: memref<1000x128xf32, #tpu.memory_space<hbm>>, %arg4: memref<1000x128xf32, #tpu.memory_space<hbm>>, %arg5: memref<1000x128xf32, #tpu.memory_space<hbm>>, %arg6: memref<32x200x128xi32, #tpu.memory_space<hbm>>, %arg7: memref<204800x128xf32, #tpu.memory_space<hbm>>, %arg8: memref<200x128xi32, #tpu.memory_space<vmem>>, %arg9: memref<4000x128xf32, #tpu.memory_space<vmem_shared>>, %arg10: memref<128x128xf32, #tpu.memory_space<vmem>>, %arg11: memref<128x128xf32, #tpu.memory_space<vmem>>, %arg12: memref<128x128xf32, #tpu.memory_space<vmem>>, %arg13: memref<128x128xf32, #tpu.memory_space<vmem>>, %arg14: memref<!tpu.dma_semaphore, #tpu.memory_space<semaphore_mem>>, %arg15: memref<!tpu.dma_semaphore, #tpu.memory_space<semaphore_mem>>, %arg16: memref<!tpu.dma_semaphore, #tpu.memory_space<semaphore_mem>>, %arg17: memref<!tpu.dma_semaphore, #tpu.memory_space<semaphore_mem>>, %arg18: memref<!tpu.dma_semaphore, #tpu.memory_space<semaphore_mem>>, %arg19: memref<!tpu.dma_semaphore, #tpu.memory_space<semaphore_mem>>, %arg20: memref<!tpu.dma_semaphore, #tpu.memory_space<semaphore_mem>>, %arg21: memref<!tpu.dma_semaphore, #tpu.memory_space<semaphore_mem>>) attributes {dimension_semantics = [#tpu.dimension_semantics<core_parallel>, #tpu.dimension_semantics<subcore_parallel>], iteration_bounds = array<i64: 2, 16>, scalar_prefetch = 0 : i64, scratch_operands = 14 : i64, tpu.core_type = #tpu.core_type<sc_vector_subcore>, window_params = [{transform_indices = #map}, {transform_indices = #map}, {transform_indices = #map}, {transform_indices = #map}, {transform_indices = #map1}, {transform_indices = #map}]} {
    %mul3A = arith.constant 2 : i32
    %mul3A_0 = arith.muli %arg1, %mul3A : i32
    %add3A = arith.addi %mul3A_0, %arg0 : i32
    %mul3A_1 = arith.constant 6400 : i32
    %mul3A_2 = arith.muli %add3A, %mul3A_1 : i32
    %eq3A = arith.constant 0 : i32
    %eq3A_3 = arith.cmpi eq, %arg1, %eq3A : i32
    %convert_element_type3A = arith.extui %eq3A_3 : i1 to i32
    %cond3A = arith.constant 0 : i32
    %cond3A_4 = arith.cmpi ne, %convert_element_type3A, %cond3A : i32
    scf.if %cond3A_4 {
      "tpu.region"() ({
        %run_scoped3A = tpu.sem_alloc : memref<!tpu.dma_semaphore, #tpu.memory_space<semaphore_mem>>
        %dma_start3A_513 = arith.constant 0 : i32
        %dma_start3A_514 = arith.constant 0 : i32
        %dma_start3A_515 = tpu.memref_slice %arg9[%dma_start3A_513, %dma_start3A_514] : memref<4000x128xf32, #tpu.memory_space<vmem_shared>> -> memref<1000x128xf32, #tpu.memory_space<vmem_shared>>
        tpu.enqueue_dma source(%arg2 : memref<1000x128xf32, #tpu.memory_space<hbm>>) target(%dma_start3A_515 : memref<1000x128xf32, #tpu.memory_space<vmem_shared>>) target_semaphore(%run_scoped3A : memref<!tpu.dma_semaphore, #tpu.memory_space<semaphore_mem>>)
        %dma_wait3A_516 = arith.constant 0 : i32
        %dma_wait3A_517 = arith.constant 0 : i32
        %dma_wait3A_518 = tpu.memref_slice %arg9[%dma_wait3A_516, %dma_wait3A_517] : memref<4000x128xf32, #tpu.memory_space<vmem_shared>> -> memref<1000x128xf32, #tpu.memory_space<vmem_shared>>
        tpu.wait_dma2 semaphore(%run_scoped3A : memref<!tpu.dma_semaphore, #tpu.memory_space<semaphore_mem>>) src(%arg2 : memref<1000x128xf32, #tpu.memory_space<hbm>>) dst(%dma_wait3A_518 : memref<1000x128xf32, #tpu.memory_space<vmem_shared>>)
        tpu.yield
      }) : () -> ()
      "tpu.region"() ({
        %run_scoped3A = tpu.sem_alloc : memref<!tpu.dma_semaphore, #tpu.memory_space<semaphore_mem>>
        %dma_start3A_513 = arith.constant 1000 : i32
        %dma_start3A_514 = arith.constant 0 : i32
        %dma_start3A_515 = tpu.memref_slice %arg9[%dma_start3A_513, %dma_start3A_514] : memref<4000x128xf32, #tpu.memory_space<vmem_shared>> -> memref<1000x128xf32, #tpu.memory_space<vmem_shared>>
        tpu.enqueue_dma source(%arg3 : memref<1000x128xf32, #tpu.memory_space<hbm>>) target(%dma_start3A_515 : memref<1000x128xf32, #tpu.memory_space<vmem_shared>>) target_semaphore(%run_scoped3A : memref<!tpu.dma_semaphore, #tpu.memory_space<semaphore_mem>>)
        %dma_wait3A_516 = arith.constant 1000 : i32
        %dma_wait3A_517 = arith.constant 0 : i32
        %dma_wait3A_518 = tpu.memref_slice %arg9[%dma_wait3A_516, %dma_wait3A_517] : memref<4000x128xf32, #tpu.memory_space<vmem_shared>> -> memref<1000x128xf32, #tpu.memory_space<vmem_shared>>
        tpu.wait_dma2 semaphore(%run_scoped3A : memref<!tpu.dma_semaphore, #tpu.memory_space<semaphore_mem>>) src(%arg3 : memref<1000x128xf32, #tpu.memory_space<hbm>>) dst(%dma_wait3A_518 : memref<1000x128xf32, #tpu.memory_space<vmem_shared>>)
        tpu.yield
      }) : () -> ()
      "tpu.region"() ({
        %run_scoped3A = tpu.sem_alloc : memref<!tpu.dma_semaphore, #tpu.memory_space<semaphore_mem>>
        %dma_start3A_513 = arith.constant 2000 : i32
        %dma_start3A_514 = arith.constant 0 : i32
        %dma_start3A_515 = tpu.memref_slice %arg9[%dma_start3A_513, %dma_start3A_514] : memref<4000x128xf32, #tpu.memory_space<vmem_shared>> -> memref<1000x128xf32, #tpu.memory_space<vmem_shared>>
        tpu.enqueue_dma source(%arg4 : memref<1000x128xf32, #tpu.memory_space<hbm>>) target(%dma_start3A_515 : memref<1000x128xf32, #tpu.memory_space<vmem_shared>>) target_semaphore(%run_scoped3A : memref<!tpu.dma_semaphore, #tpu.memory_space<semaphore_mem>>)
        %dma_wait3A_516 = arith.constant 2000 : i32
        %dma_wait3A_517 = arith.constant 0 : i32
        %dma_wait3A_518 = tpu.memref_slice %arg9[%dma_wait3A_516, %dma_wait3A_517] : memref<4000x128xf32, #tpu.memory_space<vmem_shared>> -> memref<1000x128xf32, #tpu.memory_space<vmem_shared>>
        tpu.wait_dma2 semaphore(%run_scoped3A : memref<!tpu.dma_semaphore, #tpu.memory_space<semaphore_mem>>) src(%arg4 : memref<1000x128xf32, #tpu.memory_space<hbm>>) dst(%dma_wait3A_518 : memref<1000x128xf32, #tpu.memory_space<vmem_shared>>)
        tpu.yield
      }) : () -> ()
      "tpu.region"() ({
        %run_scoped3A = tpu.sem_alloc : memref<!tpu.dma_semaphore, #tpu.memory_space<semaphore_mem>>
        %dma_start3A_513 = arith.constant 3000 : i32
        %dma_start3A_514 = arith.constant 0 : i32
        %dma_start3A_515 = tpu.memref_slice %arg9[%dma_start3A_513, %dma_start3A_514] : memref<4000x128xf32, #tpu.memory_space<vmem_shared>> -> memref<1000x128xf32, #tpu.memory_space<vmem_shared>>
        tpu.enqueue_dma source(%arg5 : memref<1000x128xf32, #tpu.memory_space<hbm>>) target(%dma_start3A_515 : memref<1000x128xf32, #tpu.memory_space<vmem_shared>>) target_semaphore(%run_scoped3A : memref<!tpu.dma_semaphore, #tpu.memory_space<semaphore_mem>>)
        %dma_wait3A_516 = arith.constant 3000 : i32
        %dma_wait3A_517 = arith.constant 0 : i32
        %dma_wait3A_518 = tpu.memref_slice %arg9[%dma_wait3A_516, %dma_wait3A_517] : memref<4000x128xf32, #tpu.memory_space<vmem_shared>> -> memref<1000x128xf32, #tpu.memory_space<vmem_shared>>
        tpu.wait_dma2 semaphore(%run_scoped3A : memref<!tpu.dma_semaphore, #tpu.memory_space<semaphore_mem>>) src(%arg5 : memref<1000x128xf32, #tpu.memory_space<hbm>>) dst(%dma_wait3A_518 : memref<1000x128xf32, #tpu.memory_space<vmem_shared>>)
        tpu.yield
      }) : () -> ()
    } else {
    }
    "tpu.region"() ({
      %run_scoped3A = tpu.sem_alloc : memref<!tpu.dma_semaphore, #tpu.memory_space<semaphore_mem>>
      %dma_start3A_513 = arith.constant 0 : i32
      %dma_start3A_514 = arith.constant 0 : i32
      %dma_start3A_515 = tpu.memref_slice %arg6[%add3A, %dma_start3A_513, %dma_start3A_514] : memref<32x200x128xi32, #tpu.memory_space<hbm>> -> memref<1x200x128xi32, #tpu.memory_space<hbm>>
      %dma_start3A_516 = tpu.memref_squeeze %dma_start3A_515 : memref<1x200x128xi32, #tpu.memory_space<hbm>> -> memref<200x128xi32, #tpu.memory_space<hbm>>
      %dma_start3A_517 = arith.constant 0 : i32
      %dma_start3A_518 = arith.constant 0 : i32
      %dma_start3A_519 = tpu.memref_slice %arg6[%add3A, %dma_start3A_517, %dma_start3A_518] : memref<32x200x128xi32, #tpu.memory_space<hbm>> -> memref<1x200x128xi32, #tpu.memory_space<hbm>>
      %dma_start3A_520 = tpu.memref_squeeze %dma_start3A_519 : memref<1x200x128xi32, #tpu.memory_space<hbm>> -> memref<200x128xi32, #tpu.memory_space<hbm>>
      tpu.enqueue_dma source(%dma_start3A_520 : memref<200x128xi32, #tpu.memory_space<hbm>>) target(%arg8 : memref<200x128xi32, #tpu.memory_space<vmem>>) target_semaphore(%run_scoped3A : memref<!tpu.dma_semaphore, #tpu.memory_space<semaphore_mem>>)
      %dma_wait3A_521 = arith.constant 0 : i32
      %dma_wait3A_522 = arith.constant 0 : i32
      %dma_wait3A_523 = tpu.memref_slice %arg6[%add3A, %dma_wait3A_521, %dma_wait3A_522] : memref<32x200x128xi32, #tpu.memory_space<hbm>> -> memref<1x200x128xi32, #tpu.memory_space<hbm>>
      %dma_wait3A_524 = tpu.memref_squeeze %dma_wait3A_523 : memref<1x200x128xi32, #tpu.memory_space<hbm>> -> memref<200x128xi32, #tpu.memory_space<hbm>>
      %dma_wait3A_525 = arith.constant 0 : i32
      %dma_wait3A_526 = arith.constant 0 : i32
      %dma_wait3A_527 = tpu.memref_slice %arg6[%add3A, %dma_wait3A_525, %dma_wait3A_526] : memref<32x200x128xi32, #tpu.memory_space<hbm>> -> memref<1x200x128xi32, #tpu.memory_space<hbm>>
      %dma_wait3A_528 = tpu.memref_squeeze %dma_wait3A_527 : memref<1x200x128xi32, #tpu.memory_space<hbm>> -> memref<200x128xi32, #tpu.memory_space<hbm>>
      tpu.wait_dma2 semaphore(%run_scoped3A : memref<!tpu.dma_semaphore, #tpu.memory_space<semaphore_mem>>) src(%dma_wait3A_528 : memref<200x128xi32, #tpu.memory_space<hbm>>) dst(%arg8 : memref<200x128xi32, #tpu.memory_space<vmem>>)
      tpu.yield
    }) : () -> ()
    %barrier3A = arith.constant 0 : index
    tpu.barrier barrier_id(%barrier3A)
    %dma_start3A = arith.constant 0 : i32
    %dma_start3A_5 = arith.constant 0 : i32
    %dma_start3A_6 = tpu.memref_slice %arg8[%dma_start3A, %dma_start3A_5] : memref<200x128xi32, #tpu.memory_space<vmem>> -> memref<1x128xi32, #tpu.memory_space<vmem>>
    %dma_start3A_7 = tpu.memref_squeeze %dma_start3A_6 : memref<1x128xi32, #tpu.memory_space<vmem>> -> memref<128xi32, #tpu.memory_space<vmem>>
    %dma_start3A_8 = arith.constant 0 : i32
    %dma_start3A_9 = arith.constant 0 : i32
    %dma_start3A_10 = tpu.memref_slice %arg9[%dma_start3A_8, %dma_start3A_9] : memref<4000x128xf32, #tpu.memory_space<vmem_shared>> -> memref<1000x128xf32, #tpu.memory_space<vmem_shared>>
    %dma_start3A_11 = arith.constant 0 : i32
    %dma_start3A_12 = arith.constant 0 : i32
    %dma_start3A_13 = tpu.memref_slice %dma_start3A_10[%dma_start3A_11, %dma_start3A_12] : memref<1000x128xf32, #tpu.memory_space<vmem_shared>> -> memref<1000x128xf32, #tpu.memory_space<vmem_shared>>
    tpu.enqueue_indirect_dma source(%dma_start3A_13 : memref<1000x128xf32, #tpu.memory_space<vmem_shared>>) target(%arg10 : memref<128x128xf32, #tpu.memory_space<vmem>>) offsets(%dma_start3A_7 : memref<128xi32, #tpu.memory_space<vmem>>) semaphore(%arg14 : memref<!tpu.dma_semaphore, #tpu.memory_space<semaphore_mem>>)
    %dma_start3A_14 = arith.constant 1 : i32
    %dma_start3A_15 = arith.constant 0 : i32
    %dma_start3A_16 = tpu.memref_slice %arg8[%dma_start3A_14, %dma_start3A_15] : memref<200x128xi32, #tpu.memory_space<vmem>> -> memref<1x128xi32, #tpu.memory_space<vmem>>
    %dma_start3A_17 = tpu.memref_squeeze %dma_start3A_16 : memref<1x128xi32, #tpu.memory_space<vmem>> -> memref<128xi32, #tpu.memory_space<vmem>>
    %dma_start3A_18 = arith.constant 0 : i32
    %dma_start3A_19 = arith.constant 0 : i32
    %dma_start3A_20 = tpu.memref_slice %arg9[%dma_start3A_18, %dma_start3A_19] : memref<4000x128xf32, #tpu.memory_space<vmem_shared>> -> memref<1000x128xf32, #tpu.memory_space<vmem_shared>>
    %dma_start3A_21 = arith.constant 0 : i32
    %dma_start3A_22 = arith.constant 0 : i32
    %dma_start3A_23 = tpu.memref_slice %dma_start3A_20[%dma_start3A_21, %dma_start3A_22] : memref<1000x128xf32, #tpu.memory_space<vmem_shared>> -> memref<1000x128xf32, #tpu.memory_space<vmem_shared>>
    tpu.enqueue_indirect_dma source(%dma_start3A_23 : memref<1000x128xf32, #tpu.memory_space<vmem_shared>>) target(%arg11 : memref<128x128xf32, #tpu.memory_space<vmem>>) offsets(%dma_start3A_17 : memref<128xi32, #tpu.memory_space<vmem>>) semaphore(%arg15 : memref<!tpu.dma_semaphore, #tpu.memory_space<semaphore_mem>>)
    %dma_start3A_24 = arith.constant 2 : i32
    %dma_start3A_25 = arith.constant 0 : i32
    %dma_start3A_26 = tpu.memref_slice %arg8[%dma_start3A_24, %dma_start3A_25] : memref<200x128xi32, #tpu.memory_space<vmem>> -> memref<1x128xi32, #tpu.memory_space<vmem>>
    %dma_start3A_27 = tpu.memref_squeeze %dma_start3A_26 : memref<1x128xi32, #tpu.memory_space<vmem>> -> memref<128xi32, #tpu.memory_space<vmem>>
    %dma_start3A_28 = arith.constant 0 : i32
    %dma_start3A_29 = arith.constant 0 : i32
    %dma_start3A_30 = tpu.memref_slice %arg2[%dma_start3A_28, %dma_start3A_29] : memref<1000x128xf32, #tpu.memory_space<hbm>> -> memref<1000x128xf32, #tpu.memory_space<hbm>>
    tpu.enqueue_indirect_dma source(%dma_start3A_30 : memref<1000x128xf32, #tpu.memory_space<hbm>>) target(%arg12 : memref<128x128xf32, #tpu.memory_space<vmem>>) offsets(%dma_start3A_27 : memref<128xi32, #tpu.memory_space<vmem>>) semaphore(%arg16 : memref<!tpu.dma_semaphore, #tpu.memory_space<semaphore_mem>>)
    %dma_start3A_31 = arith.constant 3 : i32
    %dma_start3A_32 = arith.constant 0 : i32
    %dma_start3A_33 = tpu.memref_slice %arg8[%dma_start3A_31, %dma_start3A_32] : memref<200x128xi32, #tpu.memory_space<vmem>> -> memref<1x128xi32, #tpu.memory_space<vmem>>
    %dma_start3A_34 = tpu.memref_squeeze %dma_start3A_33 : memref<1x128xi32, #tpu.memory_space<vmem>> -> memref<128xi32, #tpu.memory_space<vmem>>
    %dma_start3A_35 = arith.constant 0 : i32
    %dma_start3A_36 = arith.constant 0 : i32
    %dma_start3A_37 = tpu.memref_slice %arg2[%dma_start3A_35, %dma_start3A_36] : memref<1000x128xf32, #tpu.memory_space<hbm>> -> memref<1000x128xf32, #tpu.memory_space<hbm>>
    tpu.enqueue_indirect_dma source(%dma_start3A_37 : memref<1000x128xf32, #tpu.memory_space<hbm>>) target(%arg13 : memref<128x128xf32, #tpu.memory_space<vmem>>) offsets(%dma_start3A_34 : memref<128xi32, #tpu.memory_space<vmem>>) semaphore(%arg17 : memref<!tpu.dma_semaphore, #tpu.memory_space<semaphore_mem>>)
    %dma_wait3A = arith.constant 0 : i32
    %dma_wait3A_38 = arith.constant 0 : i32
    %dma_wait3A_39 = tpu.memref_slice %arg8[%dma_wait3A, %dma_wait3A_38] : memref<200x128xi32, #tpu.memory_space<vmem>> -> memref<1x128xi32, #tpu.memory_space<vmem>>
    %dma_wait3A_40 = tpu.memref_squeeze %dma_wait3A_39 : memref<1x128xi32, #tpu.memory_space<vmem>> -> memref<128xi32, #tpu.memory_space<vmem>>
    %dma_wait3A_41 = arith.constant 0 : i32
    %dma_wait3A_42 = arith.constant 0 : i32
    %dma_wait3A_43 = tpu.memref_slice %arg9[%dma_wait3A_41, %dma_wait3A_42] : memref<4000x128xf32, #tpu.memory_space<vmem_shared>> -> memref<1000x128xf32, #tpu.memory_space<vmem_shared>>
    %dma_wait3A_44 = arith.constant 0 : i32
    %dma_wait3A_45 = arith.constant 0 : i32
    %dma_wait3A_46 = tpu.memref_slice %dma_wait3A_43[%dma_wait3A_44, %dma_wait3A_45] : memref<1000x128xf32, #tpu.memory_space<vmem_shared>> -> memref<1000x128xf32, #tpu.memory_space<vmem_shared>>
    tpu.wait_indirect_dma semaphore(%arg14 : memref<!tpu.dma_semaphore, #tpu.memory_space<semaphore_mem>>) src(%dma_wait3A_46 : memref<1000x128xf32, #tpu.memory_space<vmem_shared>>) dst(%arg10 : memref<128x128xf32, #tpu.memory_space<vmem>>)
    %dma_start3A_47 = arith.constant 50 : i32
    %dma_start3A_48 = arith.constant 0 : i32
    %dma_start3A_49 = tpu.memref_slice %arg8[%dma_start3A_47, %dma_start3A_48] : memref<200x128xi32, #tpu.memory_space<vmem>> -> memref<1x128xi32, #tpu.memory_space<vmem>>
    %dma_start3A_50 = tpu.memref_squeeze %dma_start3A_49 : memref<1x128xi32, #tpu.memory_space<vmem>> -> memref<128xi32, #tpu.memory_space<vmem>>
    %dma_start3A_51 = arith.constant 1000 : i32
    %dma_start3A_52 = arith.constant 0 : i32
    %dma_start3A_53 = tpu.memref_slice %arg9[%dma_start3A_51, %dma_start3A_52] : memref<4000x128xf32, #tpu.memory_space<vmem_shared>> -> memref<1000x128xf32, #tpu.memory_space<vmem_shared>>
    %dma_start3A_54 = arith.constant 0 : i32
    %dma_start3A_55 = arith.constant 0 : i32
    %dma_start3A_56 = tpu.memref_slice %dma_start3A_53[%dma_start3A_54, %dma_start3A_55] : memref<1000x128xf32, #tpu.memory_space<vmem_shared>> -> memref<1000x128xf32, #tpu.memory_space<vmem_shared>>
    tpu.enqueue_indirect_dma source(%dma_start3A_56 : memref<1000x128xf32, #tpu.memory_space<vmem_shared>>) target(%arg10 : memref<128x128xf32, #tpu.memory_space<vmem>>) offsets(%dma_start3A_50 : memref<128xi32, #tpu.memory_space<vmem>>) semaphore(%arg14 : memref<!tpu.dma_semaphore, #tpu.memory_space<semaphore_mem>>) {add = true}
    %dma_wait3A_57 = arith.constant 0 : i32
    %dma_wait3A_58 = arith.constant 0 : i32
    %dma_wait3A_59 = tpu.memref_slice %arg8[%dma_wait3A_57, %dma_wait3A_58] : memref<200x128xi32, #tpu.memory_space<vmem>> -> memref<1x128xi32, #tpu.memory_space<vmem>>
    %dma_wait3A_60 = tpu.memref_squeeze %dma_wait3A_59 : memref<1x128xi32, #tpu.memory_space<vmem>> -> memref<128xi32, #tpu.memory_space<vmem>>
    %dma_wait3A_61 = arith.constant 0 : i32
    %dma_wait3A_62 = arith.constant 0 : i32
    %dma_wait3A_63 = tpu.memref_slice %arg9[%dma_wait3A_61, %dma_wait3A_62] : memref<4000x128xf32, #tpu.memory_space<vmem_shared>> -> memref<1000x128xf32, #tpu.memory_space<vmem_shared>>
    %dma_wait3A_64 = arith.constant 0 : i32
    %dma_wait3A_65 = arith.constant 0 : i32
    %dma_wait3A_66 = tpu.memref_slice %dma_wait3A_63[%dma_wait3A_64, %dma_wait3A_65] : memref<1000x128xf32, #tpu.memory_space<vmem_shared>> -> memref<1000x128xf32, #tpu.memory_space<vmem_shared>>
    tpu.wait_indirect_dma semaphore(%arg15 : memref<!tpu.dma_semaphore, #tpu.memory_space<semaphore_mem>>) src(%dma_wait3A_66 : memref<1000x128xf32, #tpu.memory_space<vmem_shared>>) dst(%arg11 : memref<128x128xf32, #tpu.memory_space<vmem>>)
    %dma_start3A_67 = arith.constant 51 : i32
    %dma_start3A_68 = arith.constant 0 : i32
    %dma_start3A_69 = tpu.memref_slice %arg8[%dma_start3A_67, %dma_start3A_68] : memref<200x128xi32, #tpu.memory_space<vmem>> -> memref<1x128xi32, #tpu.memory_space<vmem>>
    %dma_start3A_70 = tpu.memref_squeeze %dma_start3A_69 : memref<1x128xi32, #tpu.memory_space<vmem>> -> memref<128xi32, #tpu.memory_space<vmem>>
    %dma_start3A_71 = arith.constant 1000 : i32
    %dma_start3A_72 = arith.constant 0 : i32
    %dma_start3A_73 = tpu.memref_slice %arg9[%dma_start3A_71, %dma_start3A_72] : memref<4000x128xf32, #tpu.memory_space<vmem_shared>> -> memref<1000x128xf32, #tpu.memory_space<vmem_shared>>
    %dma_start3A_74 = arith.constant 0 : i32
    %dma_start3A_75 = arith.constant 0 : i32
    %dma_start3A_76 = tpu.memref_slice %dma_start3A_73[%dma_start3A_74, %dma_start3A_75] : memref<1000x128xf32, #tpu.memory_space<vmem_shared>> -> memref<1000x128xf32, #tpu.memory_space<vmem_shared>>
    tpu.enqueue_indirect_dma source(%dma_start3A_76 : memref<1000x128xf32, #tpu.memory_space<vmem_shared>>) target(%arg11 : memref<128x128xf32, #tpu.memory_space<vmem>>) offsets(%dma_start3A_70 : memref<128xi32, #tpu.memory_space<vmem>>) semaphore(%arg15 : memref<!tpu.dma_semaphore, #tpu.memory_space<semaphore_mem>>) {add = true}
    %dma_wait3A_77 = arith.constant 0 : i32
    %dma_wait3A_78 = arith.constant 0 : i32
    %dma_wait3A_79 = tpu.memref_slice %arg8[%dma_wait3A_77, %dma_wait3A_78] : memref<200x128xi32, #tpu.memory_space<vmem>> -> memref<1x128xi32, #tpu.memory_space<vmem>>
    %dma_wait3A_80 = tpu.memref_squeeze %dma_wait3A_79 : memref<1x128xi32, #tpu.memory_space<vmem>> -> memref<128xi32, #tpu.memory_space<vmem>>
    %dma_wait3A_81 = arith.constant 0 : i32
    %dma_wait3A_82 = arith.constant 0 : i32
    %dma_wait3A_83 = tpu.memref_slice %arg2[%dma_wait3A_81, %dma_wait3A_82] : memref<1000x128xf32, #tpu.memory_space<hbm>> -> memref<1000x128xf32, #tpu.memory_space<hbm>>
    tpu.wait_indirect_dma semaphore(%arg16 : memref<!tpu.dma_semaphore, #tpu.memory_space<semaphore_mem>>) src(%dma_wait3A_83 : memref<1000x128xf32, #tpu.memory_space<hbm>>) dst(%arg12 : memref<128x128xf32, #tpu.memory_space<vmem>>)
    %dma_start3A_84 = arith.constant 52 : i32
    %dma_start3A_85 = arith.constant 0 : i32
    %dma_start3A_86 = tpu.memref_slice %arg8[%dma_start3A_84, %dma_start3A_85] : memref<200x128xi32, #tpu.memory_space<vmem>> -> memref<1x128xi32, #tpu.memory_space<vmem>>
    %dma_start3A_87 = tpu.memref_squeeze %dma_start3A_86 : memref<1x128xi32, #tpu.memory_space<vmem>> -> memref<128xi32, #tpu.memory_space<vmem>>
    %dma_start3A_88 = arith.constant 0 : i32
    %dma_start3A_89 = arith.constant 0 : i32
    %dma_start3A_90 = tpu.memref_slice %arg3[%dma_start3A_88, %dma_start3A_89] : memref<1000x128xf32, #tpu.memory_space<hbm>> -> memref<1000x128xf32, #tpu.memory_space<hbm>>
    tpu.enqueue_indirect_dma source(%dma_start3A_90 : memref<1000x128xf32, #tpu.memory_space<hbm>>) target(%arg12 : memref<128x128xf32, #tpu.memory_space<vmem>>) offsets(%dma_start3A_87 : memref<128xi32, #tpu.memory_space<vmem>>) semaphore(%arg16 : memref<!tpu.dma_semaphore, #tpu.memory_space<semaphore_mem>>) {add = true}
    %dma_wait3A_91 = arith.constant 0 : i32
    %dma_wait3A_92 = arith.constant 0 : i32
    %dma_wait3A_93 = tpu.memref_slice %arg8[%dma_wait3A_91, %dma_wait3A_92] : memref<200x128xi32, #tpu.memory_space<vmem>> -> memref<1x128xi32, #tpu.memory_space<vmem>>
    %dma_wait3A_94 = tpu.memref_squeeze %dma_wait3A_93 : memref<1x128xi32, #tpu.memory_space<vmem>> -> memref<128xi32, #tpu.memory_space<vmem>>
    %dma_wait3A_95 = arith.constant 0 : i32
    %dma_wait3A_96 = arith.constant 0 : i32
    %dma_wait3A_97 = tpu.memref_slice %arg2[%dma_wait3A_95, %dma_wait3A_96] : memref<1000x128xf32, #tpu.memory_space<hbm>> -> memref<1000x128xf32, #tpu.memory_space<hbm>>
    tpu.wait_indirect_dma semaphore(%arg17 : memref<!tpu.dma_semaphore, #tpu.memory_space<semaphore_mem>>) src(%dma_wait3A_97 : memref<1000x128xf32, #tpu.memory_space<hbm>>) dst(%arg13 : memref<128x128xf32, #tpu.memory_space<vmem>>)
    %dma_start3A_98 = arith.constant 53 : i32
    %dma_start3A_99 = arith.constant 0 : i32
    %dma_start3A_100 = tpu.memref_slice %arg8[%dma_start3A_98, %dma_start3A_99] : memref<200x128xi32, #tpu.memory_space<vmem>> -> memref<1x128xi32, #tpu.memory_space<vmem>>
    %dma_start3A_101 = tpu.memref_squeeze %dma_start3A_100 : memref<1x128xi32, #tpu.memory_space<vmem>> -> memref<128xi32, #tpu.memory_space<vmem>>
    %dma_start3A_102 = arith.constant 0 : i32
    %dma_start3A_103 = arith.constant 0 : i32
    %dma_start3A_104 = tpu.memref_slice %arg3[%dma_start3A_102, %dma_start3A_103] : memref<1000x128xf32, #tpu.memory_space<hbm>> -> memref<1000x128xf32, #tpu.memory_space<hbm>>
    tpu.enqueue_indirect_dma source(%dma_start3A_104 : memref<1000x128xf32, #tpu.memory_space<hbm>>) target(%arg13 : memref<128x128xf32, #tpu.memory_space<vmem>>) offsets(%dma_start3A_101 : memref<128xi32, #tpu.memory_space<vmem>>) semaphore(%arg17 : memref<!tpu.dma_semaphore, #tpu.memory_space<semaphore_mem>>) {add = true}
    %dma_wait3A_105 = arith.constant 0 : i32
    %dma_wait3A_106 = arith.constant 0 : i32
    %dma_wait3A_107 = tpu.memref_slice %arg8[%dma_wait3A_105, %dma_wait3A_106] : memref<200x128xi32, #tpu.memory_space<vmem>> -> memref<1x128xi32, #tpu.memory_space<vmem>>
    %dma_wait3A_108 = tpu.memref_squeeze %dma_wait3A_107 : memref<1x128xi32, #tpu.memory_space<vmem>> -> memref<128xi32, #tpu.memory_space<vmem>>
    %dma_wait3A_109 = arith.constant 0 : i32
    %dma_wait3A_110 = arith.constant 0 : i32
    %dma_wait3A_111 = tpu.memref_slice %arg9[%dma_wait3A_109, %dma_wait3A_110] : memref<4000x128xf32, #tpu.memory_space<vmem_shared>> -> memref<1000x128xf32, #tpu.memory_space<vmem_shared>>
    %dma_wait3A_112 = arith.constant 0 : i32
    %dma_wait3A_113 = arith.constant 0 : i32
    %dma_wait3A_114 = tpu.memref_slice %dma_wait3A_111[%dma_wait3A_112, %dma_wait3A_113] : memref<1000x128xf32, #tpu.memory_space<vmem_shared>> -> memref<1000x128xf32, #tpu.memory_space<vmem_shared>>
    tpu.wait_indirect_dma semaphore(%arg14 : memref<!tpu.dma_semaphore, #tpu.memory_space<semaphore_mem>>) src(%dma_wait3A_114 : memref<1000x128xf32, #tpu.memory_space<vmem_shared>>) dst(%arg10 : memref<128x128xf32, #tpu.memory_space<vmem>>)
    %dma_start3A_115 = arith.constant 100 : i32
    %dma_start3A_116 = arith.constant 0 : i32
    %dma_start3A_117 = tpu.memref_slice %arg8[%dma_start3A_115, %dma_start3A_116] : memref<200x128xi32, #tpu.memory_space<vmem>> -> memref<1x128xi32, #tpu.memory_space<vmem>>
    %dma_start3A_118 = tpu.memref_squeeze %dma_start3A_117 : memref<1x128xi32, #tpu.memory_space<vmem>> -> memref<128xi32, #tpu.memory_space<vmem>>
    %dma_start3A_119 = arith.constant 2000 : i32
    %dma_start3A_120 = arith.constant 0 : i32
    %dma_start3A_121 = tpu.memref_slice %arg9[%dma_start3A_119, %dma_start3A_120] : memref<4000x128xf32, #tpu.memory_space<vmem_shared>> -> memref<1000x128xf32, #tpu.memory_space<vmem_shared>>
    %dma_start3A_122 = arith.constant 0 : i32
    %dma_start3A_123 = arith.constant 0 : i32
    %dma_start3A_124 = tpu.memref_slice %dma_start3A_121[%dma_start3A_122, %dma_start3A_123] : memref<1000x128xf32, #tpu.memory_space<vmem_shared>> -> memref<1000x128xf32, #tpu.memory_space<vmem_shared>>
    tpu.enqueue_indirect_dma source(%dma_start3A_124 : memref<1000x128xf32, #tpu.memory_space<vmem_shared>>) target(%arg10 : memref<128x128xf32, #tpu.memory_space<vmem>>) offsets(%dma_start3A_118 : memref<128xi32, #tpu.memory_space<vmem>>) semaphore(%arg14 : memref<!tpu.dma_semaphore, #tpu.memory_space<semaphore_mem>>) {add = true}
    %dma_wait3A_125 = arith.constant 0 : i32
    %dma_wait3A_126 = arith.constant 0 : i32
    %dma_wait3A_127 = tpu.memref_slice %arg8[%dma_wait3A_125, %dma_wait3A_126] : memref<200x128xi32, #tpu.memory_space<vmem>> -> memref<1x128xi32, #tpu.memory_space<vmem>>
    %dma_wait3A_128 = tpu.memref_squeeze %dma_wait3A_127 : memref<1x128xi32, #tpu.memory_space<vmem>> -> memref<128xi32, #tpu.memory_space<vmem>>
    %dma_wait3A_129 = arith.constant 0 : i32
    %dma_wait3A_130 = arith.constant 0 : i32
    %dma_wait3A_131 = tpu.memref_slice %arg9[%dma_wait3A_129, %dma_wait3A_130] : memref<4000x128xf32, #tpu.memory_space<vmem_shared>> -> memref<1000x128xf32, #tpu.memory_space<vmem_shared>>
    %dma_wait3A_132 = arith.constant 0 : i32
    %dma_wait3A_133 = arith.constant 0 : i32
    %dma_wait3A_134 = tpu.memref_slice %dma_wait3A_131[%dma_wait3A_132, %dma_wait3A_133] : memref<1000x128xf32, #tpu.memory_space<vmem_shared>> -> memref<1000x128xf32, #tpu.memory_space<vmem_shared>>
    tpu.wait_indirect_dma semaphore(%arg15 : memref<!tpu.dma_semaphore, #tpu.memory_space<semaphore_mem>>) src(%dma_wait3A_134 : memref<1000x128xf32, #tpu.memory_space<vmem_shared>>) dst(%arg11 : memref<128x128xf32, #tpu.memory_space<vmem>>)
    %dma_start3A_135 = arith.constant 101 : i32
    %dma_start3A_136 = arith.constant 0 : i32
    %dma_start3A_137 = tpu.memref_slice %arg8[%dma_start3A_135, %dma_start3A_136] : memref<200x128xi32, #tpu.memory_space<vmem>> -> memref<1x128xi32, #tpu.memory_space<vmem>>
    %dma_start3A_138 = tpu.memref_squeeze %dma_start3A_137 : memref<1x128xi32, #tpu.memory_space<vmem>> -> memref<128xi32, #tpu.memory_space<vmem>>
    %dma_start3A_139 = arith.constant 2000 : i32
    %dma_start3A_140 = arith.constant 0 : i32
    %dma_start3A_141 = tpu.memref_slice %arg9[%dma_start3A_139, %dma_start3A_140] : memref<4000x128xf32, #tpu.memory_space<vmem_shared>> -> memref<1000x128xf32, #tpu.memory_space<vmem_shared>>
    %dma_start3A_142 = arith.constant 0 : i32
    %dma_start3A_143 = arith.constant 0 : i32
    %dma_start3A_144 = tpu.memref_slice %dma_start3A_141[%dma_start3A_142, %dma_start3A_143] : memref<1000x128xf32, #tpu.memory_space<vmem_shared>> -> memref<1000x128xf32, #tpu.memory_space<vmem_shared>>
    tpu.enqueue_indirect_dma source(%dma_start3A_144 : memref<1000x128xf32, #tpu.memory_space<vmem_shared>>) target(%arg11 : memref<128x128xf32, #tpu.memory_space<vmem>>) offsets(%dma_start3A_138 : memref<128xi32, #tpu.memory_space<vmem>>) semaphore(%arg15 : memref<!tpu.dma_semaphore, #tpu.memory_space<semaphore_mem>>) {add = true}
    %dma_wait3A_145 = arith.constant 0 : i32
    %dma_wait3A_146 = arith.constant 0 : i32
    %dma_wait3A_147 = tpu.memref_slice %arg8[%dma_wait3A_145, %dma_wait3A_146] : memref<200x128xi32, #tpu.memory_space<vmem>> -> memref<1x128xi32, #tpu.memory_space<vmem>>
    %dma_wait3A_148 = tpu.memref_squeeze %dma_wait3A_147 : memref<1x128xi32, #tpu.memory_space<vmem>> -> memref<128xi32, #tpu.memory_space<vmem>>
    %dma_wait3A_149 = arith.constant 0 : i32
    %dma_wait3A_150 = arith.constant 0 : i32
    %dma_wait3A_151 = tpu.memref_slice %arg2[%dma_wait3A_149, %dma_wait3A_150] : memref<1000x128xf32, #tpu.memory_space<hbm>> -> memref<1000x128xf32, #tpu.memory_space<hbm>>
    tpu.wait_indirect_dma semaphore(%arg16 : memref<!tpu.dma_semaphore, #tpu.memory_space<semaphore_mem>>) src(%dma_wait3A_151 : memref<1000x128xf32, #tpu.memory_space<hbm>>) dst(%arg12 : memref<128x128xf32, #tpu.memory_space<vmem>>)
    %dma_start3A_152 = arith.constant 102 : i32
    %dma_start3A_153 = arith.constant 0 : i32
    %dma_start3A_154 = tpu.memref_slice %arg8[%dma_start3A_152, %dma_start3A_153] : memref<200x128xi32, #tpu.memory_space<vmem>> -> memref<1x128xi32, #tpu.memory_space<vmem>>
    %dma_start3A_155 = tpu.memref_squeeze %dma_start3A_154 : memref<1x128xi32, #tpu.memory_space<vmem>> -> memref<128xi32, #tpu.memory_space<vmem>>
    %dma_start3A_156 = arith.constant 0 : i32
    %dma_start3A_157 = arith.constant 0 : i32
    %dma_start3A_158 = tpu.memref_slice %arg4[%dma_start3A_156, %dma_start3A_157] : memref<1000x128xf32, #tpu.memory_space<hbm>> -> memref<1000x128xf32, #tpu.memory_space<hbm>>
    tpu.enqueue_indirect_dma source(%dma_start3A_158 : memref<1000x128xf32, #tpu.memory_space<hbm>>) target(%arg12 : memref<128x128xf32, #tpu.memory_space<vmem>>) offsets(%dma_start3A_155 : memref<128xi32, #tpu.memory_space<vmem>>) semaphore(%arg16 : memref<!tpu.dma_semaphore, #tpu.memory_space<semaphore_mem>>) {add = true}
    %dma_wait3A_159 = arith.constant 0 : i32
    %dma_wait3A_160 = arith.constant 0 : i32
    %dma_wait3A_161 = tpu.memref_slice %arg8[%dma_wait3A_159, %dma_wait3A_160] : memref<200x128xi32, #tpu.memory_space<vmem>> -> memref<1x128xi32, #tpu.memory_space<vmem>>
    %dma_wait3A_162 = tpu.memref_squeeze %dma_wait3A_161 : memref<1x128xi32, #tpu.memory_space<vmem>> -> memref<128xi32, #tpu.memory_space<vmem>>
    %dma_wait3A_163 = arith.constant 0 : i32
    %dma_wait3A_164 = arith.constant 0 : i32
    %dma_wait3A_165 = tpu.memref_slice %arg2[%dma_wait3A_163, %dma_wait3A_164] : memref<1000x128xf32, #tpu.memory_space<hbm>> -> memref<1000x128xf32, #tpu.memory_space<hbm>>
    tpu.wait_indirect_dma semaphore(%arg17 : memref<!tpu.dma_semaphore, #tpu.memory_space<semaphore_mem>>) src(%dma_wait3A_165 : memref<1000x128xf32, #tpu.memory_space<hbm>>) dst(%arg13 : memref<128x128xf32, #tpu.memory_space<vmem>>)
    %dma_start3A_166 = arith.constant 103 : i32
    %dma_start3A_167 = arith.constant 0 : i32
    %dma_start3A_168 = tpu.memref_slice %arg8[%dma_start3A_166, %dma_start3A_167] : memref<200x128xi32, #tpu.memory_space<vmem>> -> memref<1x128xi32, #tpu.memory_space<vmem>>
    %dma_start3A_169 = tpu.memref_squeeze %dma_start3A_168 : memref<1x128xi32, #tpu.memory_space<vmem>> -> memref<128xi32, #tpu.memory_space<vmem>>
    %dma_start3A_170 = arith.constant 0 : i32
    %dma_start3A_171 = arith.constant 0 : i32
    %dma_start3A_172 = tpu.memref_slice %arg4[%dma_start3A_170, %dma_start3A_171] : memref<1000x128xf32, #tpu.memory_space<hbm>> -> memref<1000x128xf32, #tpu.memory_space<hbm>>
    tpu.enqueue_indirect_dma source(%dma_start3A_172 : memref<1000x128xf32, #tpu.memory_space<hbm>>) target(%arg13 : memref<128x128xf32, #tpu.memory_space<vmem>>) offsets(%dma_start3A_169 : memref<128xi32, #tpu.memory_space<vmem>>) semaphore(%arg17 : memref<!tpu.dma_semaphore, #tpu.memory_space<semaphore_mem>>) {add = true}
    %dma_wait3A_173 = arith.constant 0 : i32
    %dma_wait3A_174 = arith.constant 0 : i32
    %dma_wait3A_175 = tpu.memref_slice %arg8[%dma_wait3A_173, %dma_wait3A_174] : memref<200x128xi32, #tpu.memory_space<vmem>> -> memref<1x128xi32, #tpu.memory_space<vmem>>
    %dma_wait3A_176 = tpu.memref_squeeze %dma_wait3A_175 : memref<1x128xi32, #tpu.memory_space<vmem>> -> memref<128xi32, #tpu.memory_space<vmem>>
    %dma_wait3A_177 = arith.constant 0 : i32
    %dma_wait3A_178 = arith.constant 0 : i32
    %dma_wait3A_179 = tpu.memref_slice %arg9[%dma_wait3A_177, %dma_wait3A_178] : memref<4000x128xf32, #tpu.memory_space<vmem_shared>> -> memref<1000x128xf32, #tpu.memory_space<vmem_shared>>
    %dma_wait3A_180 = arith.constant 0 : i32
    %dma_wait3A_181 = arith.constant 0 : i32
    %dma_wait3A_182 = tpu.memref_slice %dma_wait3A_179[%dma_wait3A_180, %dma_wait3A_181] : memref<1000x128xf32, #tpu.memory_space<vmem_shared>> -> memref<1000x128xf32, #tpu.memory_space<vmem_shared>>
    tpu.wait_indirect_dma semaphore(%arg14 : memref<!tpu.dma_semaphore, #tpu.memory_space<semaphore_mem>>) src(%dma_wait3A_182 : memref<1000x128xf32, #tpu.memory_space<vmem_shared>>) dst(%arg10 : memref<128x128xf32, #tpu.memory_space<vmem>>)
    %dma_start3A_183 = arith.constant 150 : i32
    %dma_start3A_184 = arith.constant 0 : i32
    %dma_start3A_185 = tpu.memref_slice %arg8[%dma_start3A_183, %dma_start3A_184] : memref<200x128xi32, #tpu.memory_space<vmem>> -> memref<1x128xi32, #tpu.memory_space<vmem>>
    %dma_start3A_186 = tpu.memref_squeeze %dma_start3A_185 : memref<1x128xi32, #tpu.memory_space<vmem>> -> memref<128xi32, #tpu.memory_space<vmem>>
    %dma_start3A_187 = arith.constant 3000 : i32
    %dma_start3A_188 = arith.constant 0 : i32
    %dma_start3A_189 = tpu.memref_slice %arg9[%dma_start3A_187, %dma_start3A_188] : memref<4000x128xf32, #tpu.memory_space<vmem_shared>> -> memref<1000x128xf32, #tpu.memory_space<vmem_shared>>
    %dma_start3A_190 = arith.constant 0 : i32
    %dma_start3A_191 = arith.constant 0 : i32
    %dma_start3A_192 = tpu.memref_slice %dma_start3A_189[%dma_start3A_190, %dma_start3A_191] : memref<1000x128xf32, #tpu.memory_space<vmem_shared>> -> memref<1000x128xf32, #tpu.memory_space<vmem_shared>>
    tpu.enqueue_indirect_dma source(%dma_start3A_192 : memref<1000x128xf32, #tpu.memory_space<vmem_shared>>) target(%arg10 : memref<128x128xf32, #tpu.memory_space<vmem>>) offsets(%dma_start3A_186 : memref<128xi32, #tpu.memory_space<vmem>>) semaphore(%arg14 : memref<!tpu.dma_semaphore, #tpu.memory_space<semaphore_mem>>) {add = true}
    %dma_wait3A_193 = arith.constant 0 : i32
    %dma_wait3A_194 = arith.constant 0 : i32
    %dma_wait3A_195 = tpu.memref_slice %arg8[%dma_wait3A_193, %dma_wait3A_194] : memref<200x128xi32, #tpu.memory_space<vmem>> -> memref<1x128xi32, #tpu.memory_space<vmem>>
    %dma_wait3A_196 = tpu.memref_squeeze %dma_wait3A_195 : memref<1x128xi32, #tpu.memory_space<vmem>> -> memref<128xi32, #tpu.memory_space<vmem>>
    %dma_wait3A_197 = arith.constant 0 : i32
    %dma_wait3A_198 = arith.constant 0 : i32
    %dma_wait3A_199 = tpu.memref_slice %arg9[%dma_wait3A_197, %dma_wait3A_198] : memref<4000x128xf32, #tpu.memory_space<vmem_shared>> -> memref<1000x128xf32, #tpu.memory_space<vmem_shared>>
    %dma_wait3A_200 = arith.constant 0 : i32
    %dma_wait3A_201 = arith.constant 0 : i32
    %dma_wait3A_202 = tpu.memref_slice %dma_wait3A_199[%dma_wait3A_200, %dma_wait3A_201] : memref<1000x128xf32, #tpu.memory_space<vmem_shared>> -> memref<1000x128xf32, #tpu.memory_space<vmem_shared>>
    tpu.wait_indirect_dma semaphore(%arg15 : memref<!tpu.dma_semaphore, #tpu.memory_space<semaphore_mem>>) src(%dma_wait3A_202 : memref<1000x128xf32, #tpu.memory_space<vmem_shared>>) dst(%arg11 : memref<128x128xf32, #tpu.memory_space<vmem>>)
    %dma_start3A_203 = arith.constant 151 : i32
    %dma_start3A_204 = arith.constant 0 : i32
    %dma_start3A_205 = tpu.memref_slice %arg8[%dma_start3A_203, %dma_start3A_204] : memref<200x128xi32, #tpu.memory_space<vmem>> -> memref<1x128xi32, #tpu.memory_space<vmem>>
    %dma_start3A_206 = tpu.memref_squeeze %dma_start3A_205 : memref<1x128xi32, #tpu.memory_space<vmem>> -> memref<128xi32, #tpu.memory_space<vmem>>
    %dma_start3A_207 = arith.constant 3000 : i32
    %dma_start3A_208 = arith.constant 0 : i32
    %dma_start3A_209 = tpu.memref_slice %arg9[%dma_start3A_207, %dma_start3A_208] : memref<4000x128xf32, #tpu.memory_space<vmem_shared>> -> memref<1000x128xf32, #tpu.memory_space<vmem_shared>>
    %dma_start3A_210 = arith.constant 0 : i32
    %dma_start3A_211 = arith.constant 0 : i32
    %dma_start3A_212 = tpu.memref_slice %dma_start3A_209[%dma_start3A_210, %dma_start3A_211] : memref<1000x128xf32, #tpu.memory_space<vmem_shared>> -> memref<1000x128xf32, #tpu.memory_space<vmem_shared>>
    tpu.enqueue_indirect_dma source(%dma_start3A_212 : memref<1000x128xf32, #tpu.memory_space<vmem_shared>>) target(%arg11 : memref<128x128xf32, #tpu.memory_space<vmem>>) offsets(%dma_start3A_206 : memref<128xi32, #tpu.memory_space<vmem>>) semaphore(%arg15 : memref<!tpu.dma_semaphore, #tpu.memory_space<semaphore_mem>>) {add = true}
    %dma_wait3A_213 = arith.constant 0 : i32
    %dma_wait3A_214 = arith.constant 0 : i32
    %dma_wait3A_215 = tpu.memref_slice %arg8[%dma_wait3A_213, %dma_wait3A_214] : memref<200x128xi32, #tpu.memory_space<vmem>> -> memref<1x128xi32, #tpu.memory_space<vmem>>
    %dma_wait3A_216 = tpu.memref_squeeze %dma_wait3A_215 : memref<1x128xi32, #tpu.memory_space<vmem>> -> memref<128xi32, #tpu.memory_space<vmem>>
    %dma_wait3A_217 = arith.constant 0 : i32
    %dma_wait3A_218 = arith.constant 0 : i32
    %dma_wait3A_219 = tpu.memref_slice %arg2[%dma_wait3A_217, %dma_wait3A_218] : memref<1000x128xf32, #tpu.memory_space<hbm>> -> memref<1000x128xf32, #tpu.memory_space<hbm>>
    tpu.wait_indirect_dma semaphore(%arg16 : memref<!tpu.dma_semaphore, #tpu.memory_space<semaphore_mem>>) src(%dma_wait3A_219 : memref<1000x128xf32, #tpu.memory_space<hbm>>) dst(%arg12 : memref<128x128xf32, #tpu.memory_space<vmem>>)
    %dma_start3A_220 = arith.constant 152 : i32
    %dma_start3A_221 = arith.constant 0 : i32
    %dma_start3A_222 = tpu.memref_slice %arg8[%dma_start3A_220, %dma_start3A_221] : memref<200x128xi32, #tpu.memory_space<vmem>> -> memref<1x128xi32, #tpu.memory_space<vmem>>
    %dma_start3A_223 = tpu.memref_squeeze %dma_start3A_222 : memref<1x128xi32, #tpu.memory_space<vmem>> -> memref<128xi32, #tpu.memory_space<vmem>>
    %dma_start3A_224 = arith.constant 0 : i32
    %dma_start3A_225 = arith.constant 0 : i32
    %dma_start3A_226 = tpu.memref_slice %arg5[%dma_start3A_224, %dma_start3A_225] : memref<1000x128xf32, #tpu.memory_space<hbm>> -> memref<1000x128xf32, #tpu.memory_space<hbm>>
    tpu.enqueue_indirect_dma source(%dma_start3A_226 : memref<1000x128xf32, #tpu.memory_space<hbm>>) target(%arg12 : memref<128x128xf32, #tpu.memory_space<vmem>>) offsets(%dma_start3A_223 : memref<128xi32, #tpu.memory_space<vmem>>) semaphore(%arg16 : memref<!tpu.dma_semaphore, #tpu.memory_space<semaphore_mem>>) {add = true}
    %dma_wait3A_227 = arith.constant 0 : i32
    %dma_wait3A_228 = arith.constant 0 : i32
    %dma_wait3A_229 = tpu.memref_slice %arg8[%dma_wait3A_227, %dma_wait3A_228] : memref<200x128xi32, #tpu.memory_space<vmem>> -> memref<1x128xi32, #tpu.memory_space<vmem>>
    %dma_wait3A_230 = tpu.memref_squeeze %dma_wait3A_229 : memref<1x128xi32, #tpu.memory_space<vmem>> -> memref<128xi32, #tpu.memory_space<vmem>>
    %dma_wait3A_231 = arith.constant 0 : i32
    %dma_wait3A_232 = arith.constant 0 : i32
    %dma_wait3A_233 = tpu.memref_slice %arg2[%dma_wait3A_231, %dma_wait3A_232] : memref<1000x128xf32, #tpu.memory_space<hbm>> -> memref<1000x128xf32, #tpu.memory_space<hbm>>
    tpu.wait_indirect_dma semaphore(%arg17 : memref<!tpu.dma_semaphore, #tpu.memory_space<semaphore_mem>>) src(%dma_wait3A_233 : memref<1000x128xf32, #tpu.memory_space<hbm>>) dst(%arg13 : memref<128x128xf32, #tpu.memory_space<vmem>>)
    %dma_start3A_234 = arith.constant 153 : i32
    %dma_start3A_235 = arith.constant 0 : i32
    %dma_start3A_236 = tpu.memref_slice %arg8[%dma_start3A_234, %dma_start3A_235] : memref<200x128xi32, #tpu.memory_space<vmem>> -> memref<1x128xi32, #tpu.memory_space<vmem>>
    %dma_start3A_237 = tpu.memref_squeeze %dma_start3A_236 : memref<1x128xi32, #tpu.memory_space<vmem>> -> memref<128xi32, #tpu.memory_space<vmem>>
    %dma_start3A_238 = arith.constant 0 : i32
    %dma_start3A_239 = arith.constant 0 : i32
    %dma_start3A_240 = tpu.memref_slice %arg5[%dma_start3A_238, %dma_start3A_239] : memref<1000x128xf32, #tpu.memory_space<hbm>> -> memref<1000x128xf32, #tpu.memory_space<hbm>>
    tpu.enqueue_indirect_dma source(%dma_start3A_240 : memref<1000x128xf32, #tpu.memory_space<hbm>>) target(%arg13 : memref<128x128xf32, #tpu.memory_space<vmem>>) offsets(%dma_start3A_237 : memref<128xi32, #tpu.memory_space<vmem>>) semaphore(%arg17 : memref<!tpu.dma_semaphore, #tpu.memory_space<semaphore_mem>>) {add = true}
    %dma_wait3A_241 = arith.constant 0 : i32
    %dma_wait3A_242 = arith.constant 0 : i32
    %dma_wait3A_243 = tpu.memref_slice %arg8[%dma_wait3A_241, %dma_wait3A_242] : memref<200x128xi32, #tpu.memory_space<vmem>> -> memref<1x128xi32, #tpu.memory_space<vmem>>
    %dma_wait3A_244 = tpu.memref_squeeze %dma_wait3A_243 : memref<1x128xi32, #tpu.memory_space<vmem>> -> memref<128xi32, #tpu.memory_space<vmem>>
    %dma_wait3A_245 = arith.constant 0 : i32
    %dma_wait3A_246 = arith.constant 0 : i32
    %dma_wait3A_247 = tpu.memref_slice %arg9[%dma_wait3A_245, %dma_wait3A_246] : memref<4000x128xf32, #tpu.memory_space<vmem_shared>> -> memref<1000x128xf32, #tpu.memory_space<vmem_shared>>
    %dma_wait3A_248 = arith.constant 0 : i32
    %dma_wait3A_249 = arith.constant 0 : i32
    %dma_wait3A_250 = tpu.memref_slice %dma_wait3A_247[%dma_wait3A_248, %dma_wait3A_249] : memref<1000x128xf32, #tpu.memory_space<vmem_shared>> -> memref<1000x128xf32, #tpu.memory_space<vmem_shared>>
    tpu.wait_indirect_dma semaphore(%arg14 : memref<!tpu.dma_semaphore, #tpu.memory_space<semaphore_mem>>) src(%dma_wait3A_250 : memref<1000x128xf32, #tpu.memory_space<vmem_shared>>) dst(%arg10 : memref<128x128xf32, #tpu.memory_space<vmem>>)
    %add3A_251 = arith.constant 0 : i32
    %add3A_252 = arith.addi %mul3A_2, %add3A_251 : i32
    %dma_start3A_253 = arith.constant 0 : i32
    %dma_start3A_254 = tpu.memref_slice %arg7[%add3A_252, %dma_start3A_253] : memref<204800x128xf32, #tpu.memory_space<hbm>> -> memref<128x128xf32, #tpu.memory_space<hbm>>
    %dma_start3A_255 = arith.constant 0 : i32
    %dma_start3A_256 = tpu.memref_slice %arg7[%add3A_252, %dma_start3A_255] : memref<204800x128xf32, #tpu.memory_space<hbm>> -> memref<128x128xf32, #tpu.memory_space<hbm>>
    tpu.enqueue_dma source(%arg10 : memref<128x128xf32, #tpu.memory_space<vmem>>) target(%dma_start3A_256 : memref<128x128xf32, #tpu.memory_space<hbm>>) target_semaphore(%arg18 : memref<!tpu.dma_semaphore, #tpu.memory_space<semaphore_mem>>)
    %dma_wait3A_257 = arith.constant 0 : i32
    %dma_wait3A_258 = arith.constant 0 : i32
    %dma_wait3A_259 = tpu.memref_slice %arg8[%dma_wait3A_257, %dma_wait3A_258] : memref<200x128xi32, #tpu.memory_space<vmem>> -> memref<1x128xi32, #tpu.memory_space<vmem>>
    %dma_wait3A_260 = tpu.memref_squeeze %dma_wait3A_259 : memref<1x128xi32, #tpu.memory_space<vmem>> -> memref<128xi32, #tpu.memory_space<vmem>>
    %dma_wait3A_261 = arith.constant 0 : i32
    %dma_wait3A_262 = arith.constant 0 : i32
    %dma_wait3A_263 = tpu.memref_slice %arg9[%dma_wait3A_261, %dma_wait3A_262] : memref<4000x128xf32, #tpu.memory_space<vmem_shared>> -> memref<1000x128xf32, #tpu.memory_space<vmem_shared>>
    %dma_wait3A_264 = arith.constant 0 : i32
    %dma_wait3A_265 = arith.constant 0 : i32
    %dma_wait3A_266 = tpu.memref_slice %dma_wait3A_263[%dma_wait3A_264, %dma_wait3A_265] : memref<1000x128xf32, #tpu.memory_space<vmem_shared>> -> memref<1000x128xf32, #tpu.memory_space<vmem_shared>>
    tpu.wait_indirect_dma semaphore(%arg15 : memref<!tpu.dma_semaphore, #tpu.memory_space<semaphore_mem>>) src(%dma_wait3A_266 : memref<1000x128xf32, #tpu.memory_space<vmem_shared>>) dst(%arg11 : memref<128x128xf32, #tpu.memory_space<vmem>>)
    %add3A_267 = arith.constant 128 : i32
    %add3A_268 = arith.addi %mul3A_2, %add3A_267 : i32
    %dma_start3A_269 = arith.constant 0 : i32
    %dma_start3A_270 = tpu.memref_slice %arg7[%add3A_268, %dma_start3A_269] : memref<204800x128xf32, #tpu.memory_space<hbm>> -> memref<128x128xf32, #tpu.memory_space<hbm>>
    %dma_start3A_271 = arith.constant 0 : i32
    %dma_start3A_272 = tpu.memref_slice %arg7[%add3A_268, %dma_start3A_271] : memref<204800x128xf32, #tpu.memory_space<hbm>> -> memref<128x128xf32, #tpu.memory_space<hbm>>
    tpu.enqueue_dma source(%arg11 : memref<128x128xf32, #tpu.memory_space<vmem>>) target(%dma_start3A_272 : memref<128x128xf32, #tpu.memory_space<hbm>>) target_semaphore(%arg19 : memref<!tpu.dma_semaphore, #tpu.memory_space<semaphore_mem>>)
    %dma_wait3A_273 = arith.constant 0 : i32
    %dma_wait3A_274 = arith.constant 0 : i32
    %dma_wait3A_275 = tpu.memref_slice %arg8[%dma_wait3A_273, %dma_wait3A_274] : memref<200x128xi32, #tpu.memory_space<vmem>> -> memref<1x128xi32, #tpu.memory_space<vmem>>
    %dma_wait3A_276 = tpu.memref_squeeze %dma_wait3A_275 : memref<1x128xi32, #tpu.memory_space<vmem>> -> memref<128xi32, #tpu.memory_space<vmem>>
    %dma_wait3A_277 = arith.constant 0 : i32
    %dma_wait3A_278 = arith.constant 0 : i32
    %dma_wait3A_279 = tpu.memref_slice %arg2[%dma_wait3A_277, %dma_wait3A_278] : memref<1000x128xf32, #tpu.memory_space<hbm>> -> memref<1000x128xf32, #tpu.memory_space<hbm>>
    tpu.wait_indirect_dma semaphore(%arg16 : memref<!tpu.dma_semaphore, #tpu.memory_space<semaphore_mem>>) src(%dma_wait3A_279 : memref<1000x128xf32, #tpu.memory_space<hbm>>) dst(%arg12 : memref<128x128xf32, #tpu.memory_space<vmem>>)
    %add3A_280 = arith.constant 256 : i32
    %add3A_281 = arith.addi %mul3A_2, %add3A_280 : i32
    %dma_start3A_282 = arith.constant 0 : i32
    %dma_start3A_283 = tpu.memref_slice %arg7[%add3A_281, %dma_start3A_282] : memref<204800x128xf32, #tpu.memory_space<hbm>> -> memref<128x128xf32, #tpu.memory_space<hbm>>
    %dma_start3A_284 = arith.constant 0 : i32
    %dma_start3A_285 = tpu.memref_slice %arg7[%add3A_281, %dma_start3A_284] : memref<204800x128xf32, #tpu.memory_space<hbm>> -> memref<128x128xf32, #tpu.memory_space<hbm>>
    tpu.enqueue_dma source(%arg12 : memref<128x128xf32, #tpu.memory_space<vmem>>) target(%dma_start3A_285 : memref<128x128xf32, #tpu.memory_space<hbm>>) target_semaphore(%arg20 : memref<!tpu.dma_semaphore, #tpu.memory_space<semaphore_mem>>)
    %dma_wait3A_286 = arith.constant 0 : i32
    %dma_wait3A_287 = arith.constant 0 : i32
    %dma_wait3A_288 = tpu.memref_slice %arg8[%dma_wait3A_286, %dma_wait3A_287] : memref<200x128xi32, #tpu.memory_space<vmem>> -> memref<1x128xi32, #tpu.memory_space<vmem>>
    %dma_wait3A_289 = tpu.memref_squeeze %dma_wait3A_288 : memref<1x128xi32, #tpu.memory_space<vmem>> -> memref<128xi32, #tpu.memory_space<vmem>>
    %dma_wait3A_290 = arith.constant 0 : i32
    %dma_wait3A_291 = arith.constant 0 : i32
    %dma_wait3A_292 = tpu.memref_slice %arg2[%dma_wait3A_290, %dma_wait3A_291] : memref<1000x128xf32, #tpu.memory_space<hbm>> -> memref<1000x128xf32, #tpu.memory_space<hbm>>
    tpu.wait_indirect_dma semaphore(%arg17 : memref<!tpu.dma_semaphore, #tpu.memory_space<semaphore_mem>>) src(%dma_wait3A_292 : memref<1000x128xf32, #tpu.memory_space<hbm>>) dst(%arg13 : memref<128x128xf32, #tpu.memory_space<vmem>>)
    %add3A_293 = arith.constant 384 : i32
    %add3A_294 = arith.addi %mul3A_2, %add3A_293 : i32
    %dma_start3A_295 = arith.constant 0 : i32
    %dma_start3A_296 = tpu.memref_slice %arg7[%add3A_294, %dma_start3A_295] : memref<204800x128xf32, #tpu.memory_space<hbm>> -> memref<128x128xf32, #tpu.memory_space<hbm>>
    %dma_start3A_297 = arith.constant 0 : i32
    %dma_start3A_298 = tpu.memref_slice %arg7[%add3A_294, %dma_start3A_297] : memref<204800x128xf32, #tpu.memory_space<hbm>> -> memref<128x128xf32, #tpu.memory_space<hbm>>
    tpu.enqueue_dma source(%arg13 : memref<128x128xf32, #tpu.memory_space<vmem>>) target(%dma_start3A_298 : memref<128x128xf32, #tpu.memory_space<hbm>>) target_semaphore(%arg21 : memref<!tpu.dma_semaphore, #tpu.memory_space<semaphore_mem>>)
    %scan3A = arith.constant 0 : i32
    %scan3A_299 = arith.constant 1 : i32
    %scan3A_300 = arith.constant 11 : i32
    %scan3A_301 = arith.addi %scan3A_299, %scan3A_300 : i32
    %scan3A_302 = arith.constant 1 : i32
    %scan3A_303 = scf.for %scan3A_513 = %scan3A_299 to %scan3A_301 step %scan3A_302 iter_args(%scan3A_514 = %scan3A) -> (i32)  : i32 {
      %mul3A_515 = arith.constant 4 : i32
      %mul3A_516 = arith.muli %scan3A_513, %mul3A_515 : i32
      %add3A_517 = arith.constant 0 : i32
      %add3A_518 = arith.addi %mul3A_516, %add3A_517 : i32
      %mul3A_519 = arith.constant 4 : i32
      %mul3A_520 = arith.muli %scan3A_513, %mul3A_519 : i32
      %add3A_521 = arith.constant 1 : i32
      %add3A_522 = arith.addi %mul3A_520, %add3A_521 : i32
      %mul3A_523 = arith.constant 4 : i32
      %mul3A_524 = arith.muli %scan3A_513, %mul3A_523 : i32
      %add3A_525 = arith.constant 2 : i32
      %add3A_526 = arith.addi %mul3A_524, %add3A_525 : i32
      %mul3A_527 = arith.constant 4 : i32
      %mul3A_528 = arith.muli %scan3A_513, %mul3A_527 : i32
      %add3A_529 = arith.constant 3 : i32
      %add3A_530 = arith.addi %mul3A_528, %add3A_529 : i32
      %dma_wait3A_531 = arith.constant 0 : i32
      %dma_wait3A_532 = arith.constant 0 : i32
      %dma_wait3A_533 = tpu.memref_slice %arg7[%dma_wait3A_531, %dma_wait3A_532] : memref<204800x128xf32, #tpu.memory_space<hbm>> -> memref<128x128xf32, #tpu.memory_space<hbm>>
      %dma_wait3A_534 = arith.constant 0 : i32
      %dma_wait3A_535 = arith.constant 0 : i32
      %dma_wait3A_536 = tpu.memref_slice %arg7[%dma_wait3A_534, %dma_wait3A_535] : memref<204800x128xf32, #tpu.memory_space<hbm>> -> memref<128x128xf32, #tpu.memory_space<hbm>>
      tpu.wait_dma2 semaphore(%arg18 : memref<!tpu.dma_semaphore, #tpu.memory_space<semaphore_mem>>) src(%arg10 : memref<128x128xf32, #tpu.memory_space<vmem>>) dst(%dma_wait3A_536 : memref<128x128xf32, #tpu.memory_space<hbm>>)
      %dma_wait3A_537 = arith.constant 0 : i32
      %dma_wait3A_538 = arith.constant 0 : i32
      %dma_wait3A_539 = tpu.memref_slice %arg7[%dma_wait3A_537, %dma_wait3A_538] : memref<204800x128xf32, #tpu.memory_space<hbm>> -> memref<128x128xf32, #tpu.memory_space<hbm>>
      %dma_wait3A_540 = arith.constant 0 : i32
      %dma_wait3A_541 = arith.constant 0 : i32
      %dma_wait3A_542 = tpu.memref_slice %arg7[%dma_wait3A_540, %dma_wait3A_541] : memref<204800x128xf32, #tpu.memory_space<hbm>> -> memref<128x128xf32, #tpu.memory_space<hbm>>
      tpu.wait_dma2 semaphore(%arg19 : memref<!tpu.dma_semaphore, #tpu.memory_space<semaphore_mem>>) src(%arg11 : memref<128x128xf32, #tpu.memory_space<vmem>>) dst(%dma_wait3A_542 : memref<128x128xf32, #tpu.memory_space<hbm>>)
      %dma_wait3A_543 = arith.constant 0 : i32
      %dma_wait3A_544 = arith.constant 0 : i32
      %dma_wait3A_545 = tpu.memref_slice %arg7[%dma_wait3A_543, %dma_wait3A_544] : memref<204800x128xf32, #tpu.memory_space<hbm>> -> memref<128x128xf32, #tpu.memory_space<hbm>>
      %dma_wait3A_546 = arith.constant 0 : i32
      %dma_wait3A_547 = arith.constant 0 : i32
      %dma_wait3A_548 = tpu.memref_slice %arg7[%dma_wait3A_546, %dma_wait3A_547] : memref<204800x128xf32, #tpu.memory_space<hbm>> -> memref<128x128xf32, #tpu.memory_space<hbm>>
      tpu.wait_dma2 semaphore(%arg20 : memref<!tpu.dma_semaphore, #tpu.memory_space<semaphore_mem>>) src(%arg12 : memref<128x128xf32, #tpu.memory_space<vmem>>) dst(%dma_wait3A_548 : memref<128x128xf32, #tpu.memory_space<hbm>>)
      %dma_wait3A_549 = arith.constant 0 : i32
      %dma_wait3A_550 = arith.constant 0 : i32
      %dma_wait3A_551 = tpu.memref_slice %arg7[%dma_wait3A_549, %dma_wait3A_550] : memref<204800x128xf32, #tpu.memory_space<hbm>> -> memref<128x128xf32, #tpu.memory_space<hbm>>
      %dma_wait3A_552 = arith.constant 0 : i32
      %dma_wait3A_553 = arith.constant 0 : i32
      %dma_wait3A_554 = tpu.memref_slice %arg7[%dma_wait3A_552, %dma_wait3A_553] : memref<204800x128xf32, #tpu.memory_space<hbm>> -> memref<128x128xf32, #tpu.memory_space<hbm>>
      tpu.wait_dma2 semaphore(%arg21 : memref<!tpu.dma_semaphore, #tpu.memory_space<semaphore_mem>>) src(%arg13 : memref<128x128xf32, #tpu.memory_space<vmem>>) dst(%dma_wait3A_554 : memref<128x128xf32, #tpu.memory_space<hbm>>)
      %add3A_555 = arith.constant 0 : i32
      %add3A_556 = arith.addi %add3A_555, %add3A_518 : i32
      %dma_start3A_557 = arith.constant 0 : i32
      %dma_start3A_558 = tpu.memref_slice %arg8[%add3A_556, %dma_start3A_557] : memref<200x128xi32, #tpu.memory_space<vmem>> -> memref<1x128xi32, #tpu.memory_space<vmem>>
      %dma_start3A_559 = tpu.memref_squeeze %dma_start3A_558 : memref<1x128xi32, #tpu.memory_space<vmem>> -> memref<128xi32, #tpu.memory_space<vmem>>
      %dma_start3A_560 = arith.constant 0 : i32
      %dma_start3A_561 = arith.constant 0 : i32
      %dma_start3A_562 = tpu.memref_slice %arg9[%dma_start3A_560, %dma_start3A_561] : memref<4000x128xf32, #tpu.memory_space<vmem_shared>> -> memref<1000x128xf32, #tpu.memory_space<vmem_shared>>
      %dma_start3A_563 = arith.constant 0 : i32
      %dma_start3A_564 = arith.constant 0 : i32
      %dma_start3A_565 = tpu.memref_slice %dma_start3A_562[%dma_start3A_563, %dma_start3A_564] : memref<1000x128xf32, #tpu.memory_space<vmem_shared>> -> memref<1000x128xf32, #tpu.memory_space<vmem_shared>>
      tpu.enqueue_indirect_dma source(%dma_start3A_565 : memref<1000x128xf32, #tpu.memory_space<vmem_shared>>) target(%arg10 : memref<128x128xf32, #tpu.memory_space<vmem>>) offsets(%dma_start3A_559 : memref<128xi32, #tpu.memory_space<vmem>>) semaphore(%arg14 : memref<!tpu.dma_semaphore, #tpu.memory_space<semaphore_mem>>)
      %add3A_566 = arith.constant 0 : i32
      %add3A_567 = arith.addi %add3A_566, %add3A_522 : i32
      %dma_start3A_568 = arith.constant 0 : i32
      %dma_start3A_569 = tpu.memref_slice %arg8[%add3A_567, %dma_start3A_568] : memref<200x128xi32, #tpu.memory_space<vmem>> -> memref<1x128xi32, #tpu.memory_space<vmem>>
      %dma_start3A_570 = tpu.memref_squeeze %dma_start3A_569 : memref<1x128xi32, #tpu.memory_space<vmem>> -> memref<128xi32, #tpu.memory_space<vmem>>
      %dma_start3A_571 = arith.constant 0 : i32
      %dma_start3A_572 = arith.constant 0 : i32
      %dma_start3A_573 = tpu.memref_slice %arg9[%dma_start3A_571, %dma_start3A_572] : memref<4000x128xf32, #tpu.memory_space<vmem_shared>> -> memref<1000x128xf32, #tpu.memory_space<vmem_shared>>
      %dma_start3A_574 = arith.constant 0 : i32
      %dma_start3A_575 = arith.constant 0 : i32
      %dma_start3A_576 = tpu.memref_slice %dma_start3A_573[%dma_start3A_574, %dma_start3A_575] : memref<1000x128xf32, #tpu.memory_space<vmem_shared>> -> memref<1000x128xf32, #tpu.memory_space<vmem_shared>>
      tpu.enqueue_indirect_dma source(%dma_start3A_576 : memref<1000x128xf32, #tpu.memory_space<vmem_shared>>) target(%arg11 : memref<128x128xf32, #tpu.memory_space<vmem>>) offsets(%dma_start3A_570 : memref<128xi32, #tpu.memory_space<vmem>>) semaphore(%arg15 : memref<!tpu.dma_semaphore, #tpu.memory_space<semaphore_mem>>)
      %add3A_577 = arith.constant 0 : i32
      %add3A_578 = arith.addi %add3A_577, %add3A_526 : i32
      %dma_start3A_579 = arith.constant 0 : i32
      %dma_start3A_580 = tpu.memref_slice %arg8[%add3A_578, %dma_start3A_579] : memref<200x128xi32, #tpu.memory_space<vmem>> -> memref<1x128xi32, #tpu.memory_space<vmem>>
      %dma_start3A_581 = tpu.memref_squeeze %dma_start3A_580 : memref<1x128xi32, #tpu.memory_space<vmem>> -> memref<128xi32, #tpu.memory_space<vmem>>
      %dma_start3A_582 = arith.constant 0 : i32
      %dma_start3A_583 = arith.constant 0 : i32
      %dma_start3A_584 = tpu.memref_slice %arg2[%dma_start3A_582, %dma_start3A_583] : memref<1000x128xf32, #tpu.memory_space<hbm>> -> memref<1000x128xf32, #tpu.memory_space<hbm>>
      tpu.enqueue_indirect_dma source(%dma_start3A_584 : memref<1000x128xf32, #tpu.memory_space<hbm>>) target(%arg12 : memref<128x128xf32, #tpu.memory_space<vmem>>) offsets(%dma_start3A_581 : memref<128xi32, #tpu.memory_space<vmem>>) semaphore(%arg16 : memref<!tpu.dma_semaphore, #tpu.memory_space<semaphore_mem>>)
      %add3A_585 = arith.constant 0 : i32
      %add3A_586 = arith.addi %add3A_585, %add3A_530 : i32
      %dma_start3A_587 = arith.constant 0 : i32
      %dma_start3A_588 = tpu.memref_slice %arg8[%add3A_586, %dma_start3A_587] : memref<200x128xi32, #tpu.memory_space<vmem>> -> memref<1x128xi32, #tpu.memory_space<vmem>>
      %dma_start3A_589 = tpu.memref_squeeze %dma_start3A_588 : memref<1x128xi32, #tpu.memory_space<vmem>> -> memref<128xi32, #tpu.memory_space<vmem>>
      %dma_start3A_590 = arith.constant 0 : i32
      %dma_start3A_591 = arith.constant 0 : i32
      %dma_start3A_592 = tpu.memref_slice %arg2[%dma_start3A_590, %dma_start3A_591] : memref<1000x128xf32, #tpu.memory_space<hbm>> -> memref<1000x128xf32, #tpu.memory_space<hbm>>
      tpu.enqueue_indirect_dma source(%dma_start3A_592 : memref<1000x128xf32, #tpu.memory_space<hbm>>) target(%arg13 : memref<128x128xf32, #tpu.memory_space<vmem>>) offsets(%dma_start3A_589 : memref<128xi32, #tpu.memory_space<vmem>>) semaphore(%arg17 : memref<!tpu.dma_semaphore, #tpu.memory_space<semaphore_mem>>)
      %dma_wait3A_593 = arith.constant 0 : i32
      %dma_wait3A_594 = arith.constant 0 : i32
      %dma_wait3A_595 = tpu.memref_slice %arg8[%dma_wait3A_593, %dma_wait3A_594] : memref<200x128xi32, #tpu.memory_space<vmem>> -> memref<1x128xi32, #tpu.memory_space<vmem>>
      %dma_wait3A_596 = tpu.memref_squeeze %dma_wait3A_595 : memref<1x128xi32, #tpu.memory_space<vmem>> -> memref<128xi32, #tpu.memory_space<vmem>>
      %dma_wait3A_597 = arith.constant 0 : i32
      %dma_wait3A_598 = arith.constant 0 : i32
      %dma_wait3A_599 = tpu.memref_slice %arg9[%dma_wait3A_597, %dma_wait3A_598] : memref<4000x128xf32, #tpu.memory_space<vmem_shared>> -> memref<1000x128xf32, #tpu.memory_space<vmem_shared>>
      %dma_wait3A_600 = arith.constant 0 : i32
      %dma_wait3A_601 = arith.constant 0 : i32
      %dma_wait3A_602 = tpu.memref_slice %dma_wait3A_599[%dma_wait3A_600, %dma_wait3A_601] : memref<1000x128xf32, #tpu.memory_space<vmem_shared>> -> memref<1000x128xf32, #tpu.memory_space<vmem_shared>>
      tpu.wait_indirect_dma semaphore(%arg14 : memref<!tpu.dma_semaphore, #tpu.memory_space<semaphore_mem>>) src(%dma_wait3A_602 : memref<1000x128xf32, #tpu.memory_space<vmem_shared>>) dst(%arg10 : memref<128x128xf32, #tpu.memory_space<vmem>>)
      %add3A_603 = arith.constant 50 : i32
      %add3A_604 = arith.addi %add3A_603, %add3A_518 : i32
      %dma_start3A_605 = arith.constant 0 : i32
      %dma_start3A_606 = tpu.memref_slice %arg8[%add3A_604, %dma_start3A_605] : memref<200x128xi32, #tpu.memory_space<vmem>> -> memref<1x128xi32, #tpu.memory_space<vmem>>
      %dma_start3A_607 = tpu.memref_squeeze %dma_start3A_606 : memref<1x128xi32, #tpu.memory_space<vmem>> -> memref<128xi32, #tpu.memory_space<vmem>>
      %dma_start3A_608 = arith.constant 1000 : i32
      %dma_start3A_609 = arith.constant 0 : i32
      %dma_start3A_610 = tpu.memref_slice %arg9[%dma_start3A_608, %dma_start3A_609] : memref<4000x128xf32, #tpu.memory_space<vmem_shared>> -> memref<1000x128xf32, #tpu.memory_space<vmem_shared>>
      %dma_start3A_611 = arith.constant 0 : i32
      %dma_start3A_612 = arith.constant 0 : i32
      %dma_start3A_613 = tpu.memref_slice %dma_start3A_610[%dma_start3A_611, %dma_start3A_612] : memref<1000x128xf32, #tpu.memory_space<vmem_shared>> -> memref<1000x128xf32, #tpu.memory_space<vmem_shared>>
      tpu.enqueue_indirect_dma source(%dma_start3A_613 : memref<1000x128xf32, #tpu.memory_space<vmem_shared>>) target(%arg10 : memref<128x128xf32, #tpu.memory_space<vmem>>) offsets(%dma_start3A_607 : memref<128xi32, #tpu.memory_space<vmem>>) semaphore(%arg14 : memref<!tpu.dma_semaphore, #tpu.memory_space<semaphore_mem>>) {add = true}
      %dma_wait3A_614 = arith.constant 0 : i32
      %dma_wait3A_615 = arith.constant 0 : i32
      %dma_wait3A_616 = tpu.memref_slice %arg8[%dma_wait3A_614, %dma_wait3A_615] : memref<200x128xi32, #tpu.memory_space<vmem>> -> memref<1x128xi32, #tpu.memory_space<vmem>>
      %dma_wait3A_617 = tpu.memref_squeeze %dma_wait3A_616 : memref<1x128xi32, #tpu.memory_space<vmem>> -> memref<128xi32, #tpu.memory_space<vmem>>
      %dma_wait3A_618 = arith.constant 0 : i32
      %dma_wait3A_619 = arith.constant 0 : i32
      %dma_wait3A_620 = tpu.memref_slice %arg9[%dma_wait3A_618, %dma_wait3A_619] : memref<4000x128xf32, #tpu.memory_space<vmem_shared>> -> memref<1000x128xf32, #tpu.memory_space<vmem_shared>>
      %dma_wait3A_621 = arith.constant 0 : i32
      %dma_wait3A_622 = arith.constant 0 : i32
      %dma_wait3A_623 = tpu.memref_slice %dma_wait3A_620[%dma_wait3A_621, %dma_wait3A_622] : memref<1000x128xf32, #tpu.memory_space<vmem_shared>> -> memref<1000x128xf32, #tpu.memory_space<vmem_shared>>
      tpu.wait_indirect_dma semaphore(%arg15 : memref<!tpu.dma_semaphore, #tpu.memory_space<semaphore_mem>>) src(%dma_wait3A_623 : memref<1000x128xf32, #tpu.memory_space<vmem_shared>>) dst(%arg11 : memref<128x128xf32, #tpu.memory_space<vmem>>)
      %add3A_624 = arith.constant 50 : i32
      %add3A_625 = arith.addi %add3A_624, %add3A_522 : i32
      %dma_start3A_626 = arith.constant 0 : i32
      %dma_start3A_627 = tpu.memref_slice %arg8[%add3A_625, %dma_start3A_626] : memref<200x128xi32, #tpu.memory_space<vmem>> -> memref<1x128xi32, #tpu.memory_space<vmem>>
      %dma_start3A_628 = tpu.memref_squeeze %dma_start3A_627 : memref<1x128xi32, #tpu.memory_space<vmem>> -> memref<128xi32, #tpu.memory_space<vmem>>
      %dma_start3A_629 = arith.constant 1000 : i32
      %dma_start3A_630 = arith.constant 0 : i32
      %dma_start3A_631 = tpu.memref_slice %arg9[%dma_start3A_629, %dma_start3A_630] : memref<4000x128xf32, #tpu.memory_space<vmem_shared>> -> memref<1000x128xf32, #tpu.memory_space<vmem_shared>>
      %dma_start3A_632 = arith.constant 0 : i32
      %dma_start3A_633 = arith.constant 0 : i32
      %dma_start3A_634 = tpu.memref_slice %dma_start3A_631[%dma_start3A_632, %dma_start3A_633] : memref<1000x128xf32, #tpu.memory_space<vmem_shared>> -> memref<1000x128xf32, #tpu.memory_space<vmem_shared>>
      tpu.enqueue_indirect_dma source(%dma_start3A_634 : memref<1000x128xf32, #tpu.memory_space<vmem_shared>>) target(%arg11 : memref<128x128xf32, #tpu.memory_space<vmem>>) offsets(%dma_start3A_628 : memref<128xi32, #tpu.memory_space<vmem>>) semaphore(%arg15 : memref<!tpu.dma_semaphore, #tpu.memory_space<semaphore_mem>>) {add = true}
      %dma_wait3A_635 = arith.constant 0 : i32
      %dma_wait3A_636 = arith.constant 0 : i32
      %dma_wait3A_637 = tpu.memref_slice %arg8[%dma_wait3A_635, %dma_wait3A_636] : memref<200x128xi32, #tpu.memory_space<vmem>> -> memref<1x128xi32, #tpu.memory_space<vmem>>
      %dma_wait3A_638 = tpu.memref_squeeze %dma_wait3A_637 : memref<1x128xi32, #tpu.memory_space<vmem>> -> memref<128xi32, #tpu.memory_space<vmem>>
      %dma_wait3A_639 = arith.constant 0 : i32
      %dma_wait3A_640 = arith.constant 0 : i32
      %dma_wait3A_641 = tpu.memref_slice %arg2[%dma_wait3A_639, %dma_wait3A_640] : memref<1000x128xf32, #tpu.memory_space<hbm>> -> memref<1000x128xf32, #tpu.memory_space<hbm>>
      tpu.wait_indirect_dma semaphore(%arg16 : memref<!tpu.dma_semaphore, #tpu.memory_space<semaphore_mem>>) src(%dma_wait3A_641 : memref<1000x128xf32, #tpu.memory_space<hbm>>) dst(%arg12 : memref<128x128xf32, #tpu.memory_space<vmem>>)
      %add3A_642 = arith.constant 50 : i32
      %add3A_643 = arith.addi %add3A_642, %add3A_526 : i32
      %dma_start3A_644 = arith.constant 0 : i32
      %dma_start3A_645 = tpu.memref_slice %arg8[%add3A_643, %dma_start3A_644] : memref<200x128xi32, #tpu.memory_space<vmem>> -> memref<1x128xi32, #tpu.memory_space<vmem>>
      %dma_start3A_646 = tpu.memref_squeeze %dma_start3A_645 : memref<1x128xi32, #tpu.memory_space<vmem>> -> memref<128xi32, #tpu.memory_space<vmem>>
      %dma_start3A_647 = arith.constant 0 : i32
      %dma_start3A_648 = arith.constant 0 : i32
      %dma_start3A_649 = tpu.memref_slice %arg3[%dma_start3A_647, %dma_start3A_648] : memref<1000x128xf32, #tpu.memory_space<hbm>> -> memref<1000x128xf32, #tpu.memory_space<hbm>>
      tpu.enqueue_indirect_dma source(%dma_start3A_649 : memref<1000x128xf32, #tpu.memory_space<hbm>>) target(%arg12 : memref<128x128xf32, #tpu.memory_space<vmem>>) offsets(%dma_start3A_646 : memref<128xi32, #tpu.memory_space<vmem>>) semaphore(%arg16 : memref<!tpu.dma_semaphore, #tpu.memory_space<semaphore_mem>>) {add = true}
      %dma_wait3A_650 = arith.constant 0 : i32
      %dma_wait3A_651 = arith.constant 0 : i32
      %dma_wait3A_652 = tpu.memref_slice %arg8[%dma_wait3A_650, %dma_wait3A_651] : memref<200x128xi32, #tpu.memory_space<vmem>> -> memref<1x128xi32, #tpu.memory_space<vmem>>
      %dma_wait3A_653 = tpu.memref_squeeze %dma_wait3A_652 : memref<1x128xi32, #tpu.memory_space<vmem>> -> memref<128xi32, #tpu.memory_space<vmem>>
      %dma_wait3A_654 = arith.constant 0 : i32
      %dma_wait3A_655 = arith.constant 0 : i32
      %dma_wait3A_656 = tpu.memref_slice %arg2[%dma_wait3A_654, %dma_wait3A_655] : memref<1000x128xf32, #tpu.memory_space<hbm>> -> memref<1000x128xf32, #tpu.memory_space<hbm>>
      tpu.wait_indirect_dma semaphore(%arg17 : memref<!tpu.dma_semaphore, #tpu.memory_space<semaphore_mem>>) src(%dma_wait3A_656 : memref<1000x128xf32, #tpu.memory_space<hbm>>) dst(%arg13 : memref<128x128xf32, #tpu.memory_space<vmem>>)
      %add3A_657 = arith.constant 50 : i32
      %add3A_658 = arith.addi %add3A_657, %add3A_530 : i32
      %dma_start3A_659 = arith.constant 0 : i32
      %dma_start3A_660 = tpu.memref_slice %arg8[%add3A_658, %dma_start3A_659] : memref<200x128xi32, #tpu.memory_space<vmem>> -> memref<1x128xi32, #tpu.memory_space<vmem>>
      %dma_start3A_661 = tpu.memref_squeeze %dma_start3A_660 : memref<1x128xi32, #tpu.memory_space<vmem>> -> memref<128xi32, #tpu.memory_space<vmem>>
      %dma_start3A_662 = arith.constant 0 : i32
      %dma_start3A_663 = arith.constant 0 : i32
      %dma_start3A_664 = tpu.memref_slice %arg3[%dma_start3A_662, %dma_start3A_663] : memref<1000x128xf32, #tpu.memory_space<hbm>> -> memref<1000x128xf32, #tpu.memory_space<hbm>>
      tpu.enqueue_indirect_dma source(%dma_start3A_664 : memref<1000x128xf32, #tpu.memory_space<hbm>>) target(%arg13 : memref<128x128xf32, #tpu.memory_space<vmem>>) offsets(%dma_start3A_661 : memref<128xi32, #tpu.memory_space<vmem>>) semaphore(%arg17 : memref<!tpu.dma_semaphore, #tpu.memory_space<semaphore_mem>>) {add = true}
      %dma_wait3A_665 = arith.constant 0 : i32
      %dma_wait3A_666 = arith.constant 0 : i32
      %dma_wait3A_667 = tpu.memref_slice %arg8[%dma_wait3A_665, %dma_wait3A_666] : memref<200x128xi32, #tpu.memory_space<vmem>> -> memref<1x128xi32, #tpu.memory_space<vmem>>
      %dma_wait3A_668 = tpu.memref_squeeze %dma_wait3A_667 : memref<1x128xi32, #tpu.memory_space<vmem>> -> memref<128xi32, #tpu.memory_space<vmem>>
      %dma_wait3A_669 = arith.constant 0 : i32
      %dma_wait3A_670 = arith.constant 0 : i32
      %dma_wait3A_671 = tpu.memref_slice %arg9[%dma_wait3A_669, %dma_wait3A_670] : memref<4000x128xf32, #tpu.memory_space<vmem_shared>> -> memref<1000x128xf32, #tpu.memory_space<vmem_shared>>
      %dma_wait3A_672 = arith.constant 0 : i32
      %dma_wait3A_673 = arith.constant 0 : i32
      %dma_wait3A_674 = tpu.memref_slice %dma_wait3A_671[%dma_wait3A_672, %dma_wait3A_673] : memref<1000x128xf32, #tpu.memory_space<vmem_shared>> -> memref<1000x128xf32, #tpu.memory_space<vmem_shared>>
      tpu.wait_indirect_dma semaphore(%arg14 : memref<!tpu.dma_semaphore, #tpu.memory_space<semaphore_mem>>) src(%dma_wait3A_674 : memref<1000x128xf32, #tpu.memory_space<vmem_shared>>) dst(%arg10 : memref<128x128xf32, #tpu.memory_space<vmem>>)
      %add3A_675 = arith.constant 100 : i32
      %add3A_676 = arith.addi %add3A_675, %add3A_518 : i32
      %dma_start3A_677 = arith.constant 0 : i32
      %dma_start3A_678 = tpu.memref_slice %arg8[%add3A_676, %dma_start3A_677] : memref<200x128xi32, #tpu.memory_space<vmem>> -> memref<1x128xi32, #tpu.memory_space<vmem>>
      %dma_start3A_679 = tpu.memref_squeeze %dma_start3A_678 : memref<1x128xi32, #tpu.memory_space<vmem>> -> memref<128xi32, #tpu.memory_space<vmem>>
      %dma_start3A_680 = arith.constant 2000 : i32
      %dma_start3A_681 = arith.constant 0 : i32
      %dma_start3A_682 = tpu.memref_slice %arg9[%dma_start3A_680, %dma_start3A_681] : memref<4000x128xf32, #tpu.memory_space<vmem_shared>> -> memref<1000x128xf32, #tpu.memory_space<vmem_shared>>
      %dma_start3A_683 = arith.constant 0 : i32
      %dma_start3A_684 = arith.constant 0 : i32
      %dma_start3A_685 = tpu.memref_slice %dma_start3A_682[%dma_start3A_683, %dma_start3A_684] : memref<1000x128xf32, #tpu.memory_space<vmem_shared>> -> memref<1000x128xf32, #tpu.memory_space<vmem_shared>>
      tpu.enqueue_indirect_dma source(%dma_start3A_685 : memref<1000x128xf32, #tpu.memory_space<vmem_shared>>) target(%arg10 : memref<128x128xf32, #tpu.memory_space<vmem>>) offsets(%dma_start3A_679 : memref<128xi32, #tpu.memory_space<vmem>>) semaphore(%arg14 : memref<!tpu.dma_semaphore, #tpu.memory_space<semaphore_mem>>) {add = true}
      %dma_wait3A_686 = arith.constant 0 : i32
      %dma_wait3A_687 = arith.constant 0 : i32
      %dma_wait3A_688 = tpu.memref_slice %arg8[%dma_wait3A_686, %dma_wait3A_687] : memref<200x128xi32, #tpu.memory_space<vmem>> -> memref<1x128xi32, #tpu.memory_space<vmem>>
      %dma_wait3A_689 = tpu.memref_squeeze %dma_wait3A_688 : memref<1x128xi32, #tpu.memory_space<vmem>> -> memref<128xi32, #tpu.memory_space<vmem>>
      %dma_wait3A_690 = arith.constant 0 : i32
      %dma_wait3A_691 = arith.constant 0 : i32
      %dma_wait3A_692 = tpu.memref_slice %arg9[%dma_wait3A_690, %dma_wait3A_691] : memref<4000x128xf32, #tpu.memory_space<vmem_shared>> -> memref<1000x128xf32, #tpu.memory_space<vmem_shared>>
      %dma_wait3A_693 = arith.constant 0 : i32
      %dma_wait3A_694 = arith.constant 0 : i32
      %dma_wait3A_695 = tpu.memref_slice %dma_wait3A_692[%dma_wait3A_693, %dma_wait3A_694] : memref<1000x128xf32, #tpu.memory_space<vmem_shared>> -> memref<1000x128xf32, #tpu.memory_space<vmem_shared>>
      tpu.wait_indirect_dma semaphore(%arg15 : memref<!tpu.dma_semaphore, #tpu.memory_space<semaphore_mem>>) src(%dma_wait3A_695 : memref<1000x128xf32, #tpu.memory_space<vmem_shared>>) dst(%arg11 : memref<128x128xf32, #tpu.memory_space<vmem>>)
      %add3A_696 = arith.constant 100 : i32
      %add3A_697 = arith.addi %add3A_696, %add3A_522 : i32
      %dma_start3A_698 = arith.constant 0 : i32
      %dma_start3A_699 = tpu.memref_slice %arg8[%add3A_697, %dma_start3A_698] : memref<200x128xi32, #tpu.memory_space<vmem>> -> memref<1x128xi32, #tpu.memory_space<vmem>>
      %dma_start3A_700 = tpu.memref_squeeze %dma_start3A_699 : memref<1x128xi32, #tpu.memory_space<vmem>> -> memref<128xi32, #tpu.memory_space<vmem>>
      %dma_start3A_701 = arith.constant 2000 : i32
      %dma_start3A_702 = arith.constant 0 : i32
      %dma_start3A_703 = tpu.memref_slice %arg9[%dma_start3A_701, %dma_start3A_702] : memref<4000x128xf32, #tpu.memory_space<vmem_shared>> -> memref<1000x128xf32, #tpu.memory_space<vmem_shared>>
      %dma_start3A_704 = arith.constant 0 : i32
      %dma_start3A_705 = arith.constant 0 : i32
      %dma_start3A_706 = tpu.memref_slice %dma_start3A_703[%dma_start3A_704, %dma_start3A_705] : memref<1000x128xf32, #tpu.memory_space<vmem_shared>> -> memref<1000x128xf32, #tpu.memory_space<vmem_shared>>
      tpu.enqueue_indirect_dma source(%dma_start3A_706 : memref<1000x128xf32, #tpu.memory_space<vmem_shared>>) target(%arg11 : memref<128x128xf32, #tpu.memory_space<vmem>>) offsets(%dma_start3A_700 : memref<128xi32, #tpu.memory_space<vmem>>) semaphore(%arg15 : memref<!tpu.dma_semaphore, #tpu.memory_space<semaphore_mem>>) {add = true}
      %dma_wait3A_707 = arith.constant 0 : i32
      %dma_wait3A_708 = arith.constant 0 : i32
      %dma_wait3A_709 = tpu.memref_slice %arg8[%dma_wait3A_707, %dma_wait3A_708] : memref<200x128xi32, #tpu.memory_space<vmem>> -> memref<1x128xi32, #tpu.memory_space<vmem>>
      %dma_wait3A_710 = tpu.memref_squeeze %dma_wait3A_709 : memref<1x128xi32, #tpu.memory_space<vmem>> -> memref<128xi32, #tpu.memory_space<vmem>>
      %dma_wait3A_711 = arith.constant 0 : i32
      %dma_wait3A_712 = arith.constant 0 : i32
      %dma_wait3A_713 = tpu.memref_slice %arg2[%dma_wait3A_711, %dma_wait3A_712] : memref<1000x128xf32, #tpu.memory_space<hbm>> -> memref<1000x128xf32, #tpu.memory_space<hbm>>
      tpu.wait_indirect_dma semaphore(%arg16 : memref<!tpu.dma_semaphore, #tpu.memory_space<semaphore_mem>>) src(%dma_wait3A_713 : memref<1000x128xf32, #tpu.memory_space<hbm>>) dst(%arg12 : memref<128x128xf32, #tpu.memory_space<vmem>>)
      %add3A_714 = arith.constant 100 : i32
      %add3A_715 = arith.addi %add3A_714, %add3A_526 : i32
      %dma_start3A_716 = arith.constant 0 : i32
      %dma_start3A_717 = tpu.memref_slice %arg8[%add3A_715, %dma_start3A_716] : memref<200x128xi32, #tpu.memory_space<vmem>> -> memref<1x128xi32, #tpu.memory_space<vmem>>
      %dma_start3A_718 = tpu.memref_squeeze %dma_start3A_717 : memref<1x128xi32, #tpu.memory_space<vmem>> -> memref<128xi32, #tpu.memory_space<vmem>>
      %dma_start3A_719 = arith.constant 0 : i32
      %dma_start3A_720 = arith.constant 0 : i32
      %dma_start3A_721 = tpu.memref_slice %arg4[%dma_start3A_719, %dma_start3A_720] : memref<1000x128xf32, #tpu.memory_space<hbm>> -> memref<1000x128xf32, #tpu.memory_space<hbm>>
      tpu.enqueue_indirect_dma source(%dma_start3A_721 : memref<1000x128xf32, #tpu.memory_space<hbm>>) target(%arg12 : memref<128x128xf32, #tpu.memory_space<vmem>>) offsets(%dma_start3A_718 : memref<128xi32, #tpu.memory_space<vmem>>) semaphore(%arg16 : memref<!tpu.dma_semaphore, #tpu.memory_space<semaphore_mem>>) {add = true}
      %dma_wait3A_722 = arith.constant 0 : i32
      %dma_wait3A_723 = arith.constant 0 : i32
      %dma_wait3A_724 = tpu.memref_slice %arg8[%dma_wait3A_722, %dma_wait3A_723] : memref<200x128xi32, #tpu.memory_space<vmem>> -> memref<1x128xi32, #tpu.memory_space<vmem>>
      %dma_wait3A_725 = tpu.memref_squeeze %dma_wait3A_724 : memref<1x128xi32, #tpu.memory_space<vmem>> -> memref<128xi32, #tpu.memory_space<vmem>>
      %dma_wait3A_726 = arith.constant 0 : i32
      %dma_wait3A_727 = arith.constant 0 : i32
      %dma_wait3A_728 = tpu.memref_slice %arg2[%dma_wait3A_726, %dma_wait3A_727] : memref<1000x128xf32, #tpu.memory_space<hbm>> -> memref<1000x128xf32, #tpu.memory_space<hbm>>
      tpu.wait_indirect_dma semaphore(%arg17 : memref<!tpu.dma_semaphore, #tpu.memory_space<semaphore_mem>>) src(%dma_wait3A_728 : memref<1000x128xf32, #tpu.memory_space<hbm>>) dst(%arg13 : memref<128x128xf32, #tpu.memory_space<vmem>>)
      %add3A_729 = arith.constant 100 : i32
      %add3A_730 = arith.addi %add3A_729, %add3A_530 : i32
      %dma_start3A_731 = arith.constant 0 : i32
      %dma_start3A_732 = tpu.memref_slice %arg8[%add3A_730, %dma_start3A_731] : memref<200x128xi32, #tpu.memory_space<vmem>> -> memref<1x128xi32, #tpu.memory_space<vmem>>
      %dma_start3A_733 = tpu.memref_squeeze %dma_start3A_732 : memref<1x128xi32, #tpu.memory_space<vmem>> -> memref<128xi32, #tpu.memory_space<vmem>>
      %dma_start3A_734 = arith.constant 0 : i32
      %dma_start3A_735 = arith.constant 0 : i32
      %dma_start3A_736 = tpu.memref_slice %arg4[%dma_start3A_734, %dma_start3A_735] : memref<1000x128xf32, #tpu.memory_space<hbm>> -> memref<1000x128xf32, #tpu.memory_space<hbm>>
      tpu.enqueue_indirect_dma source(%dma_start3A_736 : memref<1000x128xf32, #tpu.memory_space<hbm>>) target(%arg13 : memref<128x128xf32, #tpu.memory_space<vmem>>) offsets(%dma_start3A_733 : memref<128xi32, #tpu.memory_space<vmem>>) semaphore(%arg17 : memref<!tpu.dma_semaphore, #tpu.memory_space<semaphore_mem>>) {add = true}
      %dma_wait3A_737 = arith.constant 0 : i32
      %dma_wait3A_738 = arith.constant 0 : i32
      %dma_wait3A_739 = tpu.memref_slice %arg8[%dma_wait3A_737, %dma_wait3A_738] : memref<200x128xi32, #tpu.memory_space<vmem>> -> memref<1x128xi32, #tpu.memory_space<vmem>>
      %dma_wait3A_740 = tpu.memref_squeeze %dma_wait3A_739 : memref<1x128xi32, #tpu.memory_space<vmem>> -> memref<128xi32, #tpu.memory_space<vmem>>
      %dma_wait3A_741 = arith.constant 0 : i32
      %dma_wait3A_742 = arith.constant 0 : i32
      %dma_wait3A_743 = tpu.memref_slice %arg9[%dma_wait3A_741, %dma_wait3A_742] : memref<4000x128xf32, #tpu.memory_space<vmem_shared>> -> memref<1000x128xf32, #tpu.memory_space<vmem_shared>>
      %dma_wait3A_744 = arith.constant 0 : i32
      %dma_wait3A_745 = arith.constant 0 : i32
      %dma_wait3A_746 = tpu.memref_slice %dma_wait3A_743[%dma_wait3A_744, %dma_wait3A_745] : memref<1000x128xf32, #tpu.memory_space<vmem_shared>> -> memref<1000x128xf32, #tpu.memory_space<vmem_shared>>
      tpu.wait_indirect_dma semaphore(%arg14 : memref<!tpu.dma_semaphore, #tpu.memory_space<semaphore_mem>>) src(%dma_wait3A_746 : memref<1000x128xf32, #tpu.memory_space<vmem_shared>>) dst(%arg10 : memref<128x128xf32, #tpu.memory_space<vmem>>)
      %add3A_747 = arith.constant 150 : i32
      %add3A_748 = arith.addi %add3A_747, %add3A_518 : i32
      %dma_start3A_749 = arith.constant 0 : i32
      %dma_start3A_750 = tpu.memref_slice %arg8[%add3A_748, %dma_start3A_749] : memref<200x128xi32, #tpu.memory_space<vmem>> -> memref<1x128xi32, #tpu.memory_space<vmem>>
      %dma_start3A_751 = tpu.memref_squeeze %dma_start3A_750 : memref<1x128xi32, #tpu.memory_space<vmem>> -> memref<128xi32, #tpu.memory_space<vmem>>
      %dma_start3A_752 = arith.constant 3000 : i32
      %dma_start3A_753 = arith.constant 0 : i32
      %dma_start3A_754 = tpu.memref_slice %arg9[%dma_start3A_752, %dma_start3A_753] : memref<4000x128xf32, #tpu.memory_space<vmem_shared>> -> memref<1000x128xf32, #tpu.memory_space<vmem_shared>>
      %dma_start3A_755 = arith.constant 0 : i32
      %dma_start3A_756 = arith.constant 0 : i32
      %dma_start3A_757 = tpu.memref_slice %dma_start3A_754[%dma_start3A_755, %dma_start3A_756] : memref<1000x128xf32, #tpu.memory_space<vmem_shared>> -> memref<1000x128xf32, #tpu.memory_space<vmem_shared>>
      tpu.enqueue_indirect_dma source(%dma_start3A_757 : memref<1000x128xf32, #tpu.memory_space<vmem_shared>>) target(%arg10 : memref<128x128xf32, #tpu.memory_space<vmem>>) offsets(%dma_start3A_751 : memref<128xi32, #tpu.memory_space<vmem>>) semaphore(%arg14 : memref<!tpu.dma_semaphore, #tpu.memory_space<semaphore_mem>>) {add = true}
      %dma_wait3A_758 = arith.constant 0 : i32
      %dma_wait3A_759 = arith.constant 0 : i32
      %dma_wait3A_760 = tpu.memref_slice %arg8[%dma_wait3A_758, %dma_wait3A_759] : memref<200x128xi32, #tpu.memory_space<vmem>> -> memref<1x128xi32, #tpu.memory_space<vmem>>
      %dma_wait3A_761 = tpu.memref_squeeze %dma_wait3A_760 : memref<1x128xi32, #tpu.memory_space<vmem>> -> memref<128xi32, #tpu.memory_space<vmem>>
      %dma_wait3A_762 = arith.constant 0 : i32
      %dma_wait3A_763 = arith.constant 0 : i32
      %dma_wait3A_764 = tpu.memref_slice %arg9[%dma_wait3A_762, %dma_wait3A_763] : memref<4000x128xf32, #tpu.memory_space<vmem_shared>> -> memref<1000x128xf32, #tpu.memory_space<vmem_shared>>
      %dma_wait3A_765 = arith.constant 0 : i32
      %dma_wait3A_766 = arith.constant 0 : i32
      %dma_wait3A_767 = tpu.memref_slice %dma_wait3A_764[%dma_wait3A_765, %dma_wait3A_766] : memref<1000x128xf32, #tpu.memory_space<vmem_shared>> -> memref<1000x128xf32, #tpu.memory_space<vmem_shared>>
      tpu.wait_indirect_dma semaphore(%arg15 : memref<!tpu.dma_semaphore, #tpu.memory_space<semaphore_mem>>) src(%dma_wait3A_767 : memref<1000x128xf32, #tpu.memory_space<vmem_shared>>) dst(%arg11 : memref<128x128xf32, #tpu.memory_space<vmem>>)
      %add3A_768 = arith.constant 150 : i32
      %add3A_769 = arith.addi %add3A_768, %add3A_522 : i32
      %dma_start3A_770 = arith.constant 0 : i32
      %dma_start3A_771 = tpu.memref_slice %arg8[%add3A_769, %dma_start3A_770] : memref<200x128xi32, #tpu.memory_space<vmem>> -> memref<1x128xi32, #tpu.memory_space<vmem>>
      %dma_start3A_772 = tpu.memref_squeeze %dma_start3A_771 : memref<1x128xi32, #tpu.memory_space<vmem>> -> memref<128xi32, #tpu.memory_space<vmem>>
      %dma_start3A_773 = arith.constant 3000 : i32
      %dma_start3A_774 = arith.constant 0 : i32
      %dma_start3A_775 = tpu.memref_slice %arg9[%dma_start3A_773, %dma_start3A_774] : memref<4000x128xf32, #tpu.memory_space<vmem_shared>> -> memref<1000x128xf32, #tpu.memory_space<vmem_shared>>
      %dma_start3A_776 = arith.constant 0 : i32
      %dma_start3A_777 = arith.constant 0 : i32
      %dma_start3A_778 = tpu.memref_slice %dma_start3A_775[%dma_start3A_776, %dma_start3A_777] : memref<1000x128xf32, #tpu.memory_space<vmem_shared>> -> memref<1000x128xf32, #tpu.memory_space<vmem_shared>>
      tpu.enqueue_indirect_dma source(%dma_start3A_778 : memref<1000x128xf32, #tpu.memory_space<vmem_shared>>) target(%arg11 : memref<128x128xf32, #tpu.memory_space<vmem>>) offsets(%dma_start3A_772 : memref<128xi32, #tpu.memory_space<vmem>>) semaphore(%arg15 : memref<!tpu.dma_semaphore, #tpu.memory_space<semaphore_mem>>) {add = true}
      %dma_wait3A_779 = arith.constant 0 : i32
      %dma_wait3A_780 = arith.constant 0 : i32
      %dma_wait3A_781 = tpu.memref_slice %arg8[%dma_wait3A_779, %dma_wait3A_780] : memref<200x128xi32, #tpu.memory_space<vmem>> -> memref<1x128xi32, #tpu.memory_space<vmem>>
      %dma_wait3A_782 = tpu.memref_squeeze %dma_wait3A_781 : memref<1x128xi32, #tpu.memory_space<vmem>> -> memref<128xi32, #tpu.memory_space<vmem>>
      %dma_wait3A_783 = arith.constant 0 : i32
      %dma_wait3A_784 = arith.constant 0 : i32
      %dma_wait3A_785 = tpu.memref_slice %arg2[%dma_wait3A_783, %dma_wait3A_784] : memref<1000x128xf32, #tpu.memory_space<hbm>> -> memref<1000x128xf32, #tpu.memory_space<hbm>>
      tpu.wait_indirect_dma semaphore(%arg16 : memref<!tpu.dma_semaphore, #tpu.memory_space<semaphore_mem>>) src(%dma_wait3A_785 : memref<1000x128xf32, #tpu.memory_space<hbm>>) dst(%arg12 : memref<128x128xf32, #tpu.memory_space<vmem>>)
      %add3A_786 = arith.constant 150 : i32
      %add3A_787 = arith.addi %add3A_786, %add3A_526 : i32
      %dma_start3A_788 = arith.constant 0 : i32
      %dma_start3A_789 = tpu.memref_slice %arg8[%add3A_787, %dma_start3A_788] : memref<200x128xi32, #tpu.memory_space<vmem>> -> memref<1x128xi32, #tpu.memory_space<vmem>>
      %dma_start3A_790 = tpu.memref_squeeze %dma_start3A_789 : memref<1x128xi32, #tpu.memory_space<vmem>> -> memref<128xi32, #tpu.memory_space<vmem>>
      %dma_start3A_791 = arith.constant 0 : i32
      %dma_start3A_792 = arith.constant 0 : i32
      %dma_start3A_793 = tpu.memref_slice %arg5[%dma_start3A_791, %dma_start3A_792] : memref<1000x128xf32, #tpu.memory_space<hbm>> -> memref<1000x128xf32, #tpu.memory_space<hbm>>
      tpu.enqueue_indirect_dma source(%dma_start3A_793 : memref<1000x128xf32, #tpu.memory_space<hbm>>) target(%arg12 : memref<128x128xf32, #tpu.memory_space<vmem>>) offsets(%dma_start3A_790 : memref<128xi32, #tpu.memory_space<vmem>>) semaphore(%arg16 : memref<!tpu.dma_semaphore, #tpu.memory_space<semaphore_mem>>) {add = true}
      %dma_wait3A_794 = arith.constant 0 : i32
      %dma_wait3A_795 = arith.constant 0 : i32
      %dma_wait3A_796 = tpu.memref_slice %arg8[%dma_wait3A_794, %dma_wait3A_795] : memref<200x128xi32, #tpu.memory_space<vmem>> -> memref<1x128xi32, #tpu.memory_space<vmem>>
      %dma_wait3A_797 = tpu.memref_squeeze %dma_wait3A_796 : memref<1x128xi32, #tpu.memory_space<vmem>> -> memref<128xi32, #tpu.memory_space<vmem>>
      %dma_wait3A_798 = arith.constant 0 : i32
      %dma_wait3A_799 = arith.constant 0 : i32
      %dma_wait3A_800 = tpu.memref_slice %arg2[%dma_wait3A_798, %dma_wait3A_799] : memref<1000x128xf32, #tpu.memory_space<hbm>> -> memref<1000x128xf32, #tpu.memory_space<hbm>>
      tpu.wait_indirect_dma semaphore(%arg17 : memref<!tpu.dma_semaphore, #tpu.memory_space<semaphore_mem>>) src(%dma_wait3A_800 : memref<1000x128xf32, #tpu.memory_space<hbm>>) dst(%arg13 : memref<128x128xf32, #tpu.memory_space<vmem>>)
      %add3A_801 = arith.constant 150 : i32
      %add3A_802 = arith.addi %add3A_801, %add3A_530 : i32
      %dma_start3A_803 = arith.constant 0 : i32
      %dma_start3A_804 = tpu.memref_slice %arg8[%add3A_802, %dma_start3A_803] : memref<200x128xi32, #tpu.memory_space<vmem>> -> memref<1x128xi32, #tpu.memory_space<vmem>>
      %dma_start3A_805 = tpu.memref_squeeze %dma_start3A_804 : memref<1x128xi32, #tpu.memory_space<vmem>> -> memref<128xi32, #tpu.memory_space<vmem>>
      %dma_start3A_806 = arith.constant 0 : i32
      %dma_start3A_807 = arith.constant 0 : i32
      %dma_start3A_808 = tpu.memref_slice %arg5[%dma_start3A_806, %dma_start3A_807] : memref<1000x128xf32, #tpu.memory_space<hbm>> -> memref<1000x128xf32, #tpu.memory_space<hbm>>
      tpu.enqueue_indirect_dma source(%dma_start3A_808 : memref<1000x128xf32, #tpu.memory_space<hbm>>) target(%arg13 : memref<128x128xf32, #tpu.memory_space<vmem>>) offsets(%dma_start3A_805 : memref<128xi32, #tpu.memory_space<vmem>>) semaphore(%arg17 : memref<!tpu.dma_semaphore, #tpu.memory_space<semaphore_mem>>) {add = true}
      %dma_wait3A_809 = arith.constant 0 : i32
      %dma_wait3A_810 = arith.constant 0 : i32
      %dma_wait3A_811 = tpu.memref_slice %arg8[%dma_wait3A_809, %dma_wait3A_810] : memref<200x128xi32, #tpu.memory_space<vmem>> -> memref<1x128xi32, #tpu.memory_space<vmem>>
      %dma_wait3A_812 = tpu.memref_squeeze %dma_wait3A_811 : memref<1x128xi32, #tpu.memory_space<vmem>> -> memref<128xi32, #tpu.memory_space<vmem>>
      %dma_wait3A_813 = arith.constant 0 : i32
      %dma_wait3A_814 = arith.constant 0 : i32
      %dma_wait3A_815 = tpu.memref_slice %arg9[%dma_wait3A_813, %dma_wait3A_814] : memref<4000x128xf32, #tpu.memory_space<vmem_shared>> -> memref<1000x128xf32, #tpu.memory_space<vmem_shared>>
      %dma_wait3A_816 = arith.constant 0 : i32
      %dma_wait3A_817 = arith.constant 0 : i32
      %dma_wait3A_818 = tpu.memref_slice %dma_wait3A_815[%dma_wait3A_816, %dma_wait3A_817] : memref<1000x128xf32, #tpu.memory_space<vmem_shared>> -> memref<1000x128xf32, #tpu.memory_space<vmem_shared>>
      tpu.wait_indirect_dma semaphore(%arg14 : memref<!tpu.dma_semaphore, #tpu.memory_space<semaphore_mem>>) src(%dma_wait3A_818 : memref<1000x128xf32, #tpu.memory_space<vmem_shared>>) dst(%arg10 : memref<128x128xf32, #tpu.memory_space<vmem>>)
      %mul3A_819 = arith.constant 128 : i32
      %mul3A_820 = arith.muli %add3A_518, %mul3A_819 : i32
      %add3A_821 = arith.addi %mul3A_2, %mul3A_820 : i32
      %dma_start3A_822 = arith.constant 0 : i32
      %dma_start3A_823 = tpu.memref_slice %arg7[%add3A_821, %dma_start3A_822] : memref<204800x128xf32, #tpu.memory_space<hbm>> -> memref<128x128xf32, #tpu.memory_space<hbm>>
      %dma_start3A_824 = arith.constant 0 : i32
      %dma_start3A_825 = tpu.memref_slice %arg7[%add3A_821, %dma_start3A_824] : memref<204800x128xf32, #tpu.memory_space<hbm>> -> memref<128x128xf32, #tpu.memory_space<hbm>>
      tpu.enqueue_dma source(%arg10 : memref<128x128xf32, #tpu.memory_space<vmem>>) target(%dma_start3A_825 : memref<128x128xf32, #tpu.memory_space<hbm>>) target_semaphore(%arg18 : memref<!tpu.dma_semaphore, #tpu.memory_space<semaphore_mem>>)
      %dma_wait3A_826 = arith.constant 0 : i32
      %dma_wait3A_827 = arith.constant 0 : i32
      %dma_wait3A_828 = tpu.memref_slice %arg8[%dma_wait3A_826, %dma_wait3A_827] : memref<200x128xi32, #tpu.memory_space<vmem>> -> memref<1x128xi32, #tpu.memory_space<vmem>>
      %dma_wait3A_829 = tpu.memref_squeeze %dma_wait3A_828 : memref<1x128xi32, #tpu.memory_space<vmem>> -> memref<128xi32, #tpu.memory_space<vmem>>
      %dma_wait3A_830 = arith.constant 0 : i32
      %dma_wait3A_831 = arith.constant 0 : i32
      %dma_wait3A_832 = tpu.memref_slice %arg9[%dma_wait3A_830, %dma_wait3A_831] : memref<4000x128xf32, #tpu.memory_space<vmem_shared>> -> memref<1000x128xf32, #tpu.memory_space<vmem_shared>>
      %dma_wait3A_833 = arith.constant 0 : i32
      %dma_wait3A_834 = arith.constant 0 : i32
      %dma_wait3A_835 = tpu.memref_slice %dma_wait3A_832[%dma_wait3A_833, %dma_wait3A_834] : memref<1000x128xf32, #tpu.memory_space<vmem_shared>> -> memref<1000x128xf32, #tpu.memory_space<vmem_shared>>
      tpu.wait_indirect_dma semaphore(%arg15 : memref<!tpu.dma_semaphore, #tpu.memory_space<semaphore_mem>>) src(%dma_wait3A_835 : memref<1000x128xf32, #tpu.memory_space<vmem_shared>>) dst(%arg11 : memref<128x128xf32, #tpu.memory_space<vmem>>)
      %mul3A_836 = arith.constant 128 : i32
      %mul3A_837 = arith.muli %add3A_522, %mul3A_836 : i32
      %add3A_838 = arith.addi %mul3A_2, %mul3A_837 : i32
      %dma_start3A_839 = arith.constant 0 : i32
      %dma_start3A_840 = tpu.memref_slice %arg7[%add3A_838, %dma_start3A_839] : memref<204800x128xf32, #tpu.memory_space<hbm>> -> memref<128x128xf32, #tpu.memory_space<hbm>>
      %dma_start3A_841 = arith.constant 0 : i32
      %dma_start3A_842 = tpu.memref_slice %arg7[%add3A_838, %dma_start3A_841] : memref<204800x128xf32, #tpu.memory_space<hbm>> -> memref<128x128xf32, #tpu.memory_space<hbm>>
      tpu.enqueue_dma source(%arg11 : memref<128x128xf32, #tpu.memory_space<vmem>>) target(%dma_start3A_842 : memref<128x128xf32, #tpu.memory_space<hbm>>) target_semaphore(%arg19 : memref<!tpu.dma_semaphore, #tpu.memory_space<semaphore_mem>>)
      %dma_wait3A_843 = arith.constant 0 : i32
      %dma_wait3A_844 = arith.constant 0 : i32
      %dma_wait3A_845 = tpu.memref_slice %arg8[%dma_wait3A_843, %dma_wait3A_844] : memref<200x128xi32, #tpu.memory_space<vmem>> -> memref<1x128xi32, #tpu.memory_space<vmem>>
      %dma_wait3A_846 = tpu.memref_squeeze %dma_wait3A_845 : memref<1x128xi32, #tpu.memory_space<vmem>> -> memref<128xi32, #tpu.memory_space<vmem>>
      %dma_wait3A_847 = arith.constant 0 : i32
      %dma_wait3A_848 = arith.constant 0 : i32
      %dma_wait3A_849 = tpu.memref_slice %arg2[%dma_wait3A_847, %dma_wait3A_848] : memref<1000x128xf32, #tpu.memory_space<hbm>> -> memref<1000x128xf32, #tpu.memory_space<hbm>>
      tpu.wait_indirect_dma semaphore(%arg16 : memref<!tpu.dma_semaphore, #tpu.memory_space<semaphore_mem>>) src(%dma_wait3A_849 : memref<1000x128xf32, #tpu.memory_space<hbm>>) dst(%arg12 : memref<128x128xf32, #tpu.memory_space<vmem>>)
      %mul3A_850 = arith.constant 128 : i32
      %mul3A_851 = arith.muli %add3A_526, %mul3A_850 : i32
      %add3A_852 = arith.addi %mul3A_2, %mul3A_851 : i32
      %dma_start3A_853 = arith.constant 0 : i32
      %dma_start3A_854 = tpu.memref_slice %arg7[%add3A_852, %dma_start3A_853] : memref<204800x128xf32, #tpu.memory_space<hbm>> -> memref<128x128xf32, #tpu.memory_space<hbm>>
      %dma_start3A_855 = arith.constant 0 : i32
      %dma_start3A_856 = tpu.memref_slice %arg7[%add3A_852, %dma_start3A_855] : memref<204800x128xf32, #tpu.memory_space<hbm>> -> memref<128x128xf32, #tpu.memory_space<hbm>>
      tpu.enqueue_dma source(%arg12 : memref<128x128xf32, #tpu.memory_space<vmem>>) target(%dma_start3A_856 : memref<128x128xf32, #tpu.memory_space<hbm>>) target_semaphore(%arg20 : memref<!tpu.dma_semaphore, #tpu.memory_space<semaphore_mem>>)
      %dma_wait3A_857 = arith.constant 0 : i32
      %dma_wait3A_858 = arith.constant 0 : i32
      %dma_wait3A_859 = tpu.memref_slice %arg8[%dma_wait3A_857, %dma_wait3A_858] : memref<200x128xi32, #tpu.memory_space<vmem>> -> memref<1x128xi32, #tpu.memory_space<vmem>>
      %dma_wait3A_860 = tpu.memref_squeeze %dma_wait3A_859 : memref<1x128xi32, #tpu.memory_space<vmem>> -> memref<128xi32, #tpu.memory_space<vmem>>
      %dma_wait3A_861 = arith.constant 0 : i32
      %dma_wait3A_862 = arith.constant 0 : i32
      %dma_wait3A_863 = tpu.memref_slice %arg2[%dma_wait3A_861, %dma_wait3A_862] : memref<1000x128xf32, #tpu.memory_space<hbm>> -> memref<1000x128xf32, #tpu.memory_space<hbm>>
      tpu.wait_indirect_dma semaphore(%arg17 : memref<!tpu.dma_semaphore, #tpu.memory_space<semaphore_mem>>) src(%dma_wait3A_863 : memref<1000x128xf32, #tpu.memory_space<hbm>>) dst(%arg13 : memref<128x128xf32, #tpu.memory_space<vmem>>)
      %mul3A_864 = arith.constant 128 : i32
      %mul3A_865 = arith.muli %add3A_530, %mul3A_864 : i32
      %add3A_866 = arith.addi %mul3A_2, %mul3A_865 : i32
      %dma_start3A_867 = arith.constant 0 : i32
      %dma_start3A_868 = tpu.memref_slice %arg7[%add3A_866, %dma_start3A_867] : memref<204800x128xf32, #tpu.memory_space<hbm>> -> memref<128x128xf32, #tpu.memory_space<hbm>>
      %dma_start3A_869 = arith.constant 0 : i32
      %dma_start3A_870 = tpu.memref_slice %arg7[%add3A_866, %dma_start3A_869] : memref<204800x128xf32, #tpu.memory_space<hbm>> -> memref<128x128xf32, #tpu.memory_space<hbm>>
      tpu.enqueue_dma source(%arg13 : memref<128x128xf32, #tpu.memory_space<vmem>>) target(%dma_start3A_870 : memref<128x128xf32, #tpu.memory_space<hbm>>) target_semaphore(%arg21 : memref<!tpu.dma_semaphore, #tpu.memory_space<semaphore_mem>>)
      %scan3A_871 = arith.constant 0 : i32
      scf.yield %scan3A_871 : i32
    }
    %scan3A_304 = arith.constant 11 : i32
    %dma_wait3A_305 = arith.constant 0 : i32
    %dma_wait3A_306 = arith.constant 0 : i32
    %dma_wait3A_307 = tpu.memref_slice %arg7[%dma_wait3A_305, %dma_wait3A_306] : memref<204800x128xf32, #tpu.memory_space<hbm>> -> memref<128x128xf32, #tpu.memory_space<hbm>>
    %dma_wait3A_308 = arith.constant 0 : i32
    %dma_wait3A_309 = arith.constant 0 : i32
    %dma_wait3A_310 = tpu.memref_slice %arg7[%dma_wait3A_308, %dma_wait3A_309] : memref<204800x128xf32, #tpu.memory_space<hbm>> -> memref<128x128xf32, #tpu.memory_space<hbm>>
    tpu.wait_dma2 semaphore(%arg18 : memref<!tpu.dma_semaphore, #tpu.memory_space<semaphore_mem>>) src(%arg10 : memref<128x128xf32, #tpu.memory_space<vmem>>) dst(%dma_wait3A_310 : memref<128x128xf32, #tpu.memory_space<hbm>>)
    %dma_wait3A_311 = arith.constant 0 : i32
    %dma_wait3A_312 = arith.constant 0 : i32
    %dma_wait3A_313 = tpu.memref_slice %arg7[%dma_wait3A_311, %dma_wait3A_312] : memref<204800x128xf32, #tpu.memory_space<hbm>> -> memref<128x128xf32, #tpu.memory_space<hbm>>
    %dma_wait3A_314 = arith.constant 0 : i32
    %dma_wait3A_315 = arith.constant 0 : i32
    %dma_wait3A_316 = tpu.memref_slice %arg7[%dma_wait3A_314, %dma_wait3A_315] : memref<204800x128xf32, #tpu.memory_space<hbm>> -> memref<128x128xf32, #tpu.memory_space<hbm>>
    tpu.wait_dma2 semaphore(%arg19 : memref<!tpu.dma_semaphore, #tpu.memory_space<semaphore_mem>>) src(%arg11 : memref<128x128xf32, #tpu.memory_space<vmem>>) dst(%dma_wait3A_316 : memref<128x128xf32, #tpu.memory_space<hbm>>)
    %dma_start3A_317 = arith.constant 48 : i32
    %dma_start3A_318 = arith.constant 0 : i32
    %dma_start3A_319 = tpu.memref_slice %arg8[%dma_start3A_317, %dma_start3A_318] : memref<200x128xi32, #tpu.memory_space<vmem>> -> memref<1x128xi32, #tpu.memory_space<vmem>>
    %dma_start3A_320 = tpu.memref_squeeze %dma_start3A_319 : memref<1x128xi32, #tpu.memory_space<vmem>> -> memref<128xi32, #tpu.memory_space<vmem>>
    %dma_start3A_321 = arith.constant 0 : i32
    %dma_start3A_322 = arith.constant 0 : i32
    %dma_start3A_323 = tpu.memref_slice %arg9[%dma_start3A_321, %dma_start3A_322] : memref<4000x128xf32, #tpu.memory_space<vmem_shared>> -> memref<1000x128xf32, #tpu.memory_space<vmem_shared>>
    %dma_start3A_324 = arith.constant 0 : i32
    %dma_start3A_325 = arith.constant 0 : i32
    %dma_start3A_326 = tpu.memref_slice %dma_start3A_323[%dma_start3A_324, %dma_start3A_325] : memref<1000x128xf32, #tpu.memory_space<vmem_shared>> -> memref<1000x128xf32, #tpu.memory_space<vmem_shared>>
    tpu.enqueue_indirect_dma source(%dma_start3A_326 : memref<1000x128xf32, #tpu.memory_space<vmem_shared>>) target(%arg10 : memref<128x128xf32, #tpu.memory_space<vmem>>) offsets(%dma_start3A_320 : memref<128xi32, #tpu.memory_space<vmem>>) semaphore(%arg14 : memref<!tpu.dma_semaphore, #tpu.memory_space<semaphore_mem>>)
    %dma_start3A_327 = arith.constant 49 : i32
    %dma_start3A_328 = arith.constant 0 : i32
    %dma_start3A_329 = tpu.memref_slice %arg8[%dma_start3A_327, %dma_start3A_328] : memref<200x128xi32, #tpu.memory_space<vmem>> -> memref<1x128xi32, #tpu.memory_space<vmem>>
    %dma_start3A_330 = tpu.memref_squeeze %dma_start3A_329 : memref<1x128xi32, #tpu.memory_space<vmem>> -> memref<128xi32, #tpu.memory_space<vmem>>
    %dma_start3A_331 = arith.constant 0 : i32
    %dma_start3A_332 = arith.constant 0 : i32
    %dma_start3A_333 = tpu.memref_slice %arg9[%dma_start3A_331, %dma_start3A_332] : memref<4000x128xf32, #tpu.memory_space<vmem_shared>> -> memref<1000x128xf32, #tpu.memory_space<vmem_shared>>
    %dma_start3A_334 = arith.constant 0 : i32
    %dma_start3A_335 = arith.constant 0 : i32
    %dma_start3A_336 = tpu.memref_slice %dma_start3A_333[%dma_start3A_334, %dma_start3A_335] : memref<1000x128xf32, #tpu.memory_space<vmem_shared>> -> memref<1000x128xf32, #tpu.memory_space<vmem_shared>>
    tpu.enqueue_indirect_dma source(%dma_start3A_336 : memref<1000x128xf32, #tpu.memory_space<vmem_shared>>) target(%arg11 : memref<128x128xf32, #tpu.memory_space<vmem>>) offsets(%dma_start3A_330 : memref<128xi32, #tpu.memory_space<vmem>>) semaphore(%arg15 : memref<!tpu.dma_semaphore, #tpu.memory_space<semaphore_mem>>)
    %dma_wait3A_337 = arith.constant 0 : i32
    %dma_wait3A_338 = arith.constant 0 : i32
    %dma_wait3A_339 = tpu.memref_slice %arg8[%dma_wait3A_337, %dma_wait3A_338] : memref<200x128xi32, #tpu.memory_space<vmem>> -> memref<1x128xi32, #tpu.memory_space<vmem>>
    %dma_wait3A_340 = tpu.memref_squeeze %dma_wait3A_339 : memref<1x128xi32, #tpu.memory_space<vmem>> -> memref<128xi32, #tpu.memory_space<vmem>>
    %dma_wait3A_341 = arith.constant 0 : i32
    %dma_wait3A_342 = arith.constant 0 : i32
    %dma_wait3A_343 = tpu.memref_slice %arg9[%dma_wait3A_341, %dma_wait3A_342] : memref<4000x128xf32, #tpu.memory_space<vmem_shared>> -> memref<1000x128xf32, #tpu.memory_space<vmem_shared>>
    %dma_wait3A_344 = arith.constant 0 : i32
    %dma_wait3A_345 = arith.constant 0 : i32
    %dma_wait3A_346 = tpu.memref_slice %dma_wait3A_343[%dma_wait3A_344, %dma_wait3A_345] : memref<1000x128xf32, #tpu.memory_space<vmem_shared>> -> memref<1000x128xf32, #tpu.memory_space<vmem_shared>>
    tpu.wait_indirect_dma semaphore(%arg14 : memref<!tpu.dma_semaphore, #tpu.memory_space<semaphore_mem>>) src(%dma_wait3A_346 : memref<1000x128xf32, #tpu.memory_space<vmem_shared>>) dst(%arg10 : memref<128x128xf32, #tpu.memory_space<vmem>>)
    %dma_start3A_347 = arith.constant 98 : i32
    %dma_start3A_348 = arith.constant 0 : i32
    %dma_start3A_349 = tpu.memref_slice %arg8[%dma_start3A_347, %dma_start3A_348] : memref<200x128xi32, #tpu.memory_space<vmem>> -> memref<1x128xi32, #tpu.memory_space<vmem>>
    %dma_start3A_350 = tpu.memref_squeeze %dma_start3A_349 : memref<1x128xi32, #tpu.memory_space<vmem>> -> memref<128xi32, #tpu.memory_space<vmem>>
    %dma_start3A_351 = arith.constant 1000 : i32
    %dma_start3A_352 = arith.constant 0 : i32
    %dma_start3A_353 = tpu.memref_slice %arg9[%dma_start3A_351, %dma_start3A_352] : memref<4000x128xf32, #tpu.memory_space<vmem_shared>> -> memref<1000x128xf32, #tpu.memory_space<vmem_shared>>
    %dma_start3A_354 = arith.constant 0 : i32
    %dma_start3A_355 = arith.constant 0 : i32
    %dma_start3A_356 = tpu.memref_slice %dma_start3A_353[%dma_start3A_354, %dma_start3A_355] : memref<1000x128xf32, #tpu.memory_space<vmem_shared>> -> memref<1000x128xf32, #tpu.memory_space<vmem_shared>>
    tpu.enqueue_indirect_dma source(%dma_start3A_356 : memref<1000x128xf32, #tpu.memory_space<vmem_shared>>) target(%arg10 : memref<128x128xf32, #tpu.memory_space<vmem>>) offsets(%dma_start3A_350 : memref<128xi32, #tpu.memory_space<vmem>>) semaphore(%arg14 : memref<!tpu.dma_semaphore, #tpu.memory_space<semaphore_mem>>) {add = true}
    %dma_wait3A_357 = arith.constant 0 : i32
    %dma_wait3A_358 = arith.constant 0 : i32
    %dma_wait3A_359 = tpu.memref_slice %arg8[%dma_wait3A_357, %dma_wait3A_358] : memref<200x128xi32, #tpu.memory_space<vmem>> -> memref<1x128xi32, #tpu.memory_space<vmem>>
    %dma_wait3A_360 = tpu.memref_squeeze %dma_wait3A_359 : memref<1x128xi32, #tpu.memory_space<vmem>> -> memref<128xi32, #tpu.memory_space<vmem>>
    %dma_wait3A_361 = arith.constant 0 : i32
    %dma_wait3A_362 = arith.constant 0 : i32
    %dma_wait3A_363 = tpu.memref_slice %arg9[%dma_wait3A_361, %dma_wait3A_362] : memref<4000x128xf32, #tpu.memory_space<vmem_shared>> -> memref<1000x128xf32, #tpu.memory_space<vmem_shared>>
    %dma_wait3A_364 = arith.constant 0 : i32
    %dma_wait3A_365 = arith.constant 0 : i32
    %dma_wait3A_366 = tpu.memref_slice %dma_wait3A_363[%dma_wait3A_364, %dma_wait3A_365] : memref<1000x128xf32, #tpu.memory_space<vmem_shared>> -> memref<1000x128xf32, #tpu.memory_space<vmem_shared>>
    tpu.wait_indirect_dma semaphore(%arg15 : memref<!tpu.dma_semaphore, #tpu.memory_space<semaphore_mem>>) src(%dma_wait3A_366 : memref<1000x128xf32, #tpu.memory_space<vmem_shared>>) dst(%arg11 : memref<128x128xf32, #tpu.memory_space<vmem>>)
    %dma_start3A_367 = arith.constant 99 : i32
    %dma_start3A_368 = arith.constant 0 : i32
    %dma_start3A_369 = tpu.memref_slice %arg8[%dma_start3A_367, %dma_start3A_368] : memref<200x128xi32, #tpu.memory_space<vmem>> -> memref<1x128xi32, #tpu.memory_space<vmem>>
    %dma_start3A_370 = tpu.memref_squeeze %dma_start3A_369 : memref<1x128xi32, #tpu.memory_space<vmem>> -> memref<128xi32, #tpu.memory_space<vmem>>
    %dma_start3A_371 = arith.constant 1000 : i32
    %dma_start3A_372 = arith.constant 0 : i32
    %dma_start3A_373 = tpu.memref_slice %arg9[%dma_start3A_371, %dma_start3A_372] : memref<4000x128xf32, #tpu.memory_space<vmem_shared>> -> memref<1000x128xf32, #tpu.memory_space<vmem_shared>>
    %dma_start3A_374 = arith.constant 0 : i32
    %dma_start3A_375 = arith.constant 0 : i32
    %dma_start3A_376 = tpu.memref_slice %dma_start3A_373[%dma_start3A_374, %dma_start3A_375] : memref<1000x128xf32, #tpu.memory_space<vmem_shared>> -> memref<1000x128xf32, #tpu.memory_space<vmem_shared>>
    tpu.enqueue_indirect_dma source(%dma_start3A_376 : memref<1000x128xf32, #tpu.memory_space<vmem_shared>>) target(%arg11 : memref<128x128xf32, #tpu.memory_space<vmem>>) offsets(%dma_start3A_370 : memref<128xi32, #tpu.memory_space<vmem>>) semaphore(%arg15 : memref<!tpu.dma_semaphore, #tpu.memory_space<semaphore_mem>>) {add = true}
    %dma_wait3A_377 = arith.constant 0 : i32
    %dma_wait3A_378 = arith.constant 0 : i32
    %dma_wait3A_379 = tpu.memref_slice %arg8[%dma_wait3A_377, %dma_wait3A_378] : memref<200x128xi32, #tpu.memory_space<vmem>> -> memref<1x128xi32, #tpu.memory_space<vmem>>
    %dma_wait3A_380 = tpu.memref_squeeze %dma_wait3A_379 : memref<1x128xi32, #tpu.memory_space<vmem>> -> memref<128xi32, #tpu.memory_space<vmem>>
    %dma_wait3A_381 = arith.constant 0 : i32
    %dma_wait3A_382 = arith.constant 0 : i32
    %dma_wait3A_383 = tpu.memref_slice %arg9[%dma_wait3A_381, %dma_wait3A_382] : memref<4000x128xf32, #tpu.memory_space<vmem_shared>> -> memref<1000x128xf32, #tpu.memory_space<vmem_shared>>
    %dma_wait3A_384 = arith.constant 0 : i32
    %dma_wait3A_385 = arith.constant 0 : i32
    %dma_wait3A_386 = tpu.memref_slice %dma_wait3A_383[%dma_wait3A_384, %dma_wait3A_385] : memref<1000x128xf32, #tpu.memory_space<vmem_shared>> -> memref<1000x128xf32, #tpu.memory_space<vmem_shared>>
    tpu.wait_indirect_dma semaphore(%arg14 : memref<!tpu.dma_semaphore, #tpu.memory_space<semaphore_mem>>) src(%dma_wait3A_386 : memref<1000x128xf32, #tpu.memory_space<vmem_shared>>) dst(%arg10 : memref<128x128xf32, #tpu.memory_space<vmem>>)
    %dma_start3A_387 = arith.constant 148 : i32
    %dma_start3A_388 = arith.constant 0 : i32
    %dma_start3A_389 = tpu.memref_slice %arg8[%dma_start3A_387, %dma_start3A_388] : memref<200x128xi32, #tpu.memory_space<vmem>> -> memref<1x128xi32, #tpu.memory_space<vmem>>
    %dma_start3A_390 = tpu.memref_squeeze %dma_start3A_389 : memref<1x128xi32, #tpu.memory_space<vmem>> -> memref<128xi32, #tpu.memory_space<vmem>>
    %dma_start3A_391 = arith.constant 2000 : i32
    %dma_start3A_392 = arith.constant 0 : i32
    %dma_start3A_393 = tpu.memref_slice %arg9[%dma_start3A_391, %dma_start3A_392] : memref<4000x128xf32, #tpu.memory_space<vmem_shared>> -> memref<1000x128xf32, #tpu.memory_space<vmem_shared>>
    %dma_start3A_394 = arith.constant 0 : i32
    %dma_start3A_395 = arith.constant 0 : i32
    %dma_start3A_396 = tpu.memref_slice %dma_start3A_393[%dma_start3A_394, %dma_start3A_395] : memref<1000x128xf32, #tpu.memory_space<vmem_shared>> -> memref<1000x128xf32, #tpu.memory_space<vmem_shared>>
    tpu.enqueue_indirect_dma source(%dma_start3A_396 : memref<1000x128xf32, #tpu.memory_space<vmem_shared>>) target(%arg10 : memref<128x128xf32, #tpu.memory_space<vmem>>) offsets(%dma_start3A_390 : memref<128xi32, #tpu.memory_space<vmem>>) semaphore(%arg14 : memref<!tpu.dma_semaphore, #tpu.memory_space<semaphore_mem>>) {add = true}
    %dma_wait3A_397 = arith.constant 0 : i32
    %dma_wait3A_398 = arith.constant 0 : i32
    %dma_wait3A_399 = tpu.memref_slice %arg8[%dma_wait3A_397, %dma_wait3A_398] : memref<200x128xi32, #tpu.memory_space<vmem>> -> memref<1x128xi32, #tpu.memory_space<vmem>>
    %dma_wait3A_400 = tpu.memref_squeeze %dma_wait3A_399 : memref<1x128xi32, #tpu.memory_space<vmem>> -> memref<128xi32, #tpu.memory_space<vmem>>
    %dma_wait3A_401 = arith.constant 0 : i32
    %dma_wait3A_402 = arith.constant 0 : i32
    %dma_wait3A_403 = tpu.memref_slice %arg9[%dma_wait3A_401, %dma_wait3A_402] : memref<4000x128xf32, #tpu.memory_space<vmem_shared>> -> memref<1000x128xf32, #tpu.memory_space<vmem_shared>>
    %dma_wait3A_404 = arith.constant 0 : i32
    %dma_wait3A_405 = arith.constant 0 : i32
    %dma_wait3A_406 = tpu.memref_slice %dma_wait3A_403[%dma_wait3A_404, %dma_wait3A_405] : memref<1000x128xf32, #tpu.memory_space<vmem_shared>> -> memref<1000x128xf32, #tpu.memory_space<vmem_shared>>
    tpu.wait_indirect_dma semaphore(%arg15 : memref<!tpu.dma_semaphore, #tpu.memory_space<semaphore_mem>>) src(%dma_wait3A_406 : memref<1000x128xf32, #tpu.memory_space<vmem_shared>>) dst(%arg11 : memref<128x128xf32, #tpu.memory_space<vmem>>)
    %dma_start3A_407 = arith.constant 149 : i32
    %dma_start3A_408 = arith.constant 0 : i32
    %dma_start3A_409 = tpu.memref_slice %arg8[%dma_start3A_407, %dma_start3A_408] : memref<200x128xi32, #tpu.memory_space<vmem>> -> memref<1x128xi32, #tpu.memory_space<vmem>>
    %dma_start3A_410 = tpu.memref_squeeze %dma_start3A_409 : memref<1x128xi32, #tpu.memory_space<vmem>> -> memref<128xi32, #tpu.memory_space<vmem>>
    %dma_start3A_411 = arith.constant 2000 : i32
    %dma_start3A_412 = arith.constant 0 : i32
    %dma_start3A_413 = tpu.memref_slice %arg9[%dma_start3A_411, %dma_start3A_412] : memref<4000x128xf32, #tpu.memory_space<vmem_shared>> -> memref<1000x128xf32, #tpu.memory_space<vmem_shared>>
    %dma_start3A_414 = arith.constant 0 : i32
    %dma_start3A_415 = arith.constant 0 : i32
    %dma_start3A_416 = tpu.memref_slice %dma_start3A_413[%dma_start3A_414, %dma_start3A_415] : memref<1000x128xf32, #tpu.memory_space<vmem_shared>> -> memref<1000x128xf32, #tpu.memory_space<vmem_shared>>
    tpu.enqueue_indirect_dma source(%dma_start3A_416 : memref<1000x128xf32, #tpu.memory_space<vmem_shared>>) target(%arg11 : memref<128x128xf32, #tpu.memory_space<vmem>>) offsets(%dma_start3A_410 : memref<128xi32, #tpu.memory_space<vmem>>) semaphore(%arg15 : memref<!tpu.dma_semaphore, #tpu.memory_space<semaphore_mem>>) {add = true}
    %dma_wait3A_417 = arith.constant 0 : i32
    %dma_wait3A_418 = arith.constant 0 : i32
    %dma_wait3A_419 = tpu.memref_slice %arg8[%dma_wait3A_417, %dma_wait3A_418] : memref<200x128xi32, #tpu.memory_space<vmem>> -> memref<1x128xi32, #tpu.memory_space<vmem>>
    %dma_wait3A_420 = tpu.memref_squeeze %dma_wait3A_419 : memref<1x128xi32, #tpu.memory_space<vmem>> -> memref<128xi32, #tpu.memory_space<vmem>>
    %dma_wait3A_421 = arith.constant 0 : i32
    %dma_wait3A_422 = arith.constant 0 : i32
    %dma_wait3A_423 = tpu.memref_slice %arg9[%dma_wait3A_421, %dma_wait3A_422] : memref<4000x128xf32, #tpu.memory_space<vmem_shared>> -> memref<1000x128xf32, #tpu.memory_space<vmem_shared>>
    %dma_wait3A_424 = arith.constant 0 : i32
    %dma_wait3A_425 = arith.constant 0 : i32
    %dma_wait3A_426 = tpu.memref_slice %dma_wait3A_423[%dma_wait3A_424, %dma_wait3A_425] : memref<1000x128xf32, #tpu.memory_space<vmem_shared>> -> memref<1000x128xf32, #tpu.memory_space<vmem_shared>>
    tpu.wait_indirect_dma semaphore(%arg14 : memref<!tpu.dma_semaphore, #tpu.memory_space<semaphore_mem>>) src(%dma_wait3A_426 : memref<1000x128xf32, #tpu.memory_space<vmem_shared>>) dst(%arg10 : memref<128x128xf32, #tpu.memory_space<vmem>>)
    %dma_start3A_427 = arith.constant 198 : i32
    %dma_start3A_428 = arith.constant 0 : i32
    %dma_start3A_429 = tpu.memref_slice %arg8[%dma_start3A_427, %dma_start3A_428] : memref<200x128xi32, #tpu.memory_space<vmem>> -> memref<1x128xi32, #tpu.memory_space<vmem>>
    %dma_start3A_430 = tpu.memref_squeeze %dma_start3A_429 : memref<1x128xi32, #tpu.memory_space<vmem>> -> memref<128xi32, #tpu.memory_space<vmem>>
    %dma_start3A_431 = arith.constant 3000 : i32
    %dma_start3A_432 = arith.constant 0 : i32
    %dma_start3A_433 = tpu.memref_slice %arg9[%dma_start3A_431, %dma_start3A_432] : memref<4000x128xf32, #tpu.memory_space<vmem_shared>> -> memref<1000x128xf32, #tpu.memory_space<vmem_shared>>
    %dma_start3A_434 = arith.constant 0 : i32
    %dma_start3A_435 = arith.constant 0 : i32
    %dma_start3A_436 = tpu.memref_slice %dma_start3A_433[%dma_start3A_434, %dma_start3A_435] : memref<1000x128xf32, #tpu.memory_space<vmem_shared>> -> memref<1000x128xf32, #tpu.memory_space<vmem_shared>>
    tpu.enqueue_indirect_dma source(%dma_start3A_436 : memref<1000x128xf32, #tpu.memory_space<vmem_shared>>) target(%arg10 : memref<128x128xf32, #tpu.memory_space<vmem>>) offsets(%dma_start3A_430 : memref<128xi32, #tpu.memory_space<vmem>>) semaphore(%arg14 : memref<!tpu.dma_semaphore, #tpu.memory_space<semaphore_mem>>) {add = true}
    %dma_wait3A_437 = arith.constant 0 : i32
    %dma_wait3A_438 = arith.constant 0 : i32
    %dma_wait3A_439 = tpu.memref_slice %arg8[%dma_wait3A_437, %dma_wait3A_438] : memref<200x128xi32, #tpu.memory_space<vmem>> -> memref<1x128xi32, #tpu.memory_space<vmem>>
    %dma_wait3A_440 = tpu.memref_squeeze %dma_wait3A_439 : memref<1x128xi32, #tpu.memory_space<vmem>> -> memref<128xi32, #tpu.memory_space<vmem>>
    %dma_wait3A_441 = arith.constant 0 : i32
    %dma_wait3A_442 = arith.constant 0 : i32
    %dma_wait3A_443 = tpu.memref_slice %arg9[%dma_wait3A_441, %dma_wait3A_442] : memref<4000x128xf32, #tpu.memory_space<vmem_shared>> -> memref<1000x128xf32, #tpu.memory_space<vmem_shared>>
    %dma_wait3A_444 = arith.constant 0 : i32
    %dma_wait3A_445 = arith.constant 0 : i32
    %dma_wait3A_446 = tpu.memref_slice %dma_wait3A_443[%dma_wait3A_444, %dma_wait3A_445] : memref<1000x128xf32, #tpu.memory_space<vmem_shared>> -> memref<1000x128xf32, #tpu.memory_space<vmem_shared>>
    tpu.wait_indirect_dma semaphore(%arg15 : memref<!tpu.dma_semaphore, #tpu.memory_space<semaphore_mem>>) src(%dma_wait3A_446 : memref<1000x128xf32, #tpu.memory_space<vmem_shared>>) dst(%arg11 : memref<128x128xf32, #tpu.memory_space<vmem>>)
    %dma_start3A_447 = arith.constant 199 : i32
    %dma_start3A_448 = arith.constant 0 : i32
    %dma_start3A_449 = tpu.memref_slice %arg8[%dma_start3A_447, %dma_start3A_448] : memref<200x128xi32, #tpu.memory_space<vmem>> -> memref<1x128xi32, #tpu.memory_space<vmem>>
    %dma_start3A_450 = tpu.memref_squeeze %dma_start3A_449 : memref<1x128xi32, #tpu.memory_space<vmem>> -> memref<128xi32, #tpu.memory_space<vmem>>
    %dma_start3A_451 = arith.constant 3000 : i32
    %dma_start3A_452 = arith.constant 0 : i32
    %dma_start3A_453 = tpu.memref_slice %arg9[%dma_start3A_451, %dma_start3A_452] : memref<4000x128xf32, #tpu.memory_space<vmem_shared>> -> memref<1000x128xf32, #tpu.memory_space<vmem_shared>>
    %dma_start3A_454 = arith.constant 0 : i32
    %dma_start3A_455 = arith.constant 0 : i32
    %dma_start3A_456 = tpu.memref_slice %dma_start3A_453[%dma_start3A_454, %dma_start3A_455] : memref<1000x128xf32, #tpu.memory_space<vmem_shared>> -> memref<1000x128xf32, #tpu.memory_space<vmem_shared>>
    tpu.enqueue_indirect_dma source(%dma_start3A_456 : memref<1000x128xf32, #tpu.memory_space<vmem_shared>>) target(%arg11 : memref<128x128xf32, #tpu.memory_space<vmem>>) offsets(%dma_start3A_450 : memref<128xi32, #tpu.memory_space<vmem>>) semaphore(%arg15 : memref<!tpu.dma_semaphore, #tpu.memory_space<semaphore_mem>>) {add = true}
    %dma_wait3A_457 = arith.constant 0 : i32
    %dma_wait3A_458 = arith.constant 0 : i32
    %dma_wait3A_459 = tpu.memref_slice %arg8[%dma_wait3A_457, %dma_wait3A_458] : memref<200x128xi32, #tpu.memory_space<vmem>> -> memref<1x128xi32, #tpu.memory_space<vmem>>
    %dma_wait3A_460 = tpu.memref_squeeze %dma_wait3A_459 : memref<1x128xi32, #tpu.memory_space<vmem>> -> memref<128xi32, #tpu.memory_space<vmem>>
    %dma_wait3A_461 = arith.constant 0 : i32
    %dma_wait3A_462 = arith.constant 0 : i32
    %dma_wait3A_463 = tpu.memref_slice %arg9[%dma_wait3A_461, %dma_wait3A_462] : memref<4000x128xf32, #tpu.memory_space<vmem_shared>> -> memref<1000x128xf32, #tpu.memory_space<vmem_shared>>
    %dma_wait3A_464 = arith.constant 0 : i32
    %dma_wait3A_465 = arith.constant 0 : i32
    %dma_wait3A_466 = tpu.memref_slice %dma_wait3A_463[%dma_wait3A_464, %dma_wait3A_465] : memref<1000x128xf32, #tpu.memory_space<vmem_shared>> -> memref<1000x128xf32, #tpu.memory_space<vmem_shared>>
    tpu.wait_indirect_dma semaphore(%arg14 : memref<!tpu.dma_semaphore, #tpu.memory_space<semaphore_mem>>) src(%dma_wait3A_466 : memref<1000x128xf32, #tpu.memory_space<vmem_shared>>) dst(%arg10 : memref<128x128xf32, #tpu.memory_space<vmem>>)
    %add3A_467 = arith.constant 6144 : i32
    %add3A_468 = arith.addi %mul3A_2, %add3A_467 : i32
    %dma_start3A_469 = arith.constant 0 : i32
    %dma_start3A_470 = tpu.memref_slice %arg7[%add3A_468, %dma_start3A_469] : memref<204800x128xf32, #tpu.memory_space<hbm>> -> memref<128x128xf32, #tpu.memory_space<hbm>>
    %dma_start3A_471 = arith.constant 0 : i32
    %dma_start3A_472 = tpu.memref_slice %arg7[%add3A_468, %dma_start3A_471] : memref<204800x128xf32, #tpu.memory_space<hbm>> -> memref<128x128xf32, #tpu.memory_space<hbm>>
    tpu.enqueue_dma source(%arg10 : memref<128x128xf32, #tpu.memory_space<vmem>>) target(%dma_start3A_472 : memref<128x128xf32, #tpu.memory_space<hbm>>) target_semaphore(%arg18 : memref<!tpu.dma_semaphore, #tpu.memory_space<semaphore_mem>>)
    %dma_wait3A_473 = arith.constant 0 : i32
    %dma_wait3A_474 = arith.constant 0 : i32
    %dma_wait3A_475 = tpu.memref_slice %arg8[%dma_wait3A_473, %dma_wait3A_474] : memref<200x128xi32, #tpu.memory_space<vmem>> -> memref<1x128xi32, #tpu.memory_space<vmem>>
    %dma_wait3A_476 = tpu.memref_squeeze %dma_wait3A_475 : memref<1x128xi32, #tpu.memory_space<vmem>> -> memref<128xi32, #tpu.memory_space<vmem>>
    %dma_wait3A_477 = arith.constant 0 : i32
    %dma_wait3A_478 = arith.constant 0 : i32
    %dma_wait3A_479 = tpu.memref_slice %arg9[%dma_wait3A_477, %dma_wait3A_478] : memref<4000x128xf32, #tpu.memory_space<vmem_shared>> -> memref<1000x128xf32, #tpu.memory_space<vmem_shared>>
    %dma_wait3A_480 = arith.constant 0 : i32
    %dma_wait3A_481 = arith.constant 0 : i32
    %dma_wait3A_482 = tpu.memref_slice %dma_wait3A_479[%dma_wait3A_480, %dma_wait3A_481] : memref<1000x128xf32, #tpu.memory_space<vmem_shared>> -> memref<1000x128xf32, #tpu.memory_space<vmem_shared>>
    tpu.wait_indirect_dma semaphore(%arg15 : memref<!tpu.dma_semaphore, #tpu.memory_space<semaphore_mem>>) src(%dma_wait3A_482 : memref<1000x128xf32, #tpu.memory_space<vmem_shared>>) dst(%arg11 : memref<128x128xf32, #tpu.memory_space<vmem>>)
    %add3A_483 = arith.constant 6272 : i32
    %add3A_484 = arith.addi %mul3A_2, %add3A_483 : i32
    %dma_start3A_485 = arith.constant 0 : i32
    %dma_start3A_486 = tpu.memref_slice %arg7[%add3A_484, %dma_start3A_485] : memref<204800x128xf32, #tpu.memory_space<hbm>> -> memref<128x128xf32, #tpu.memory_space<hbm>>
    %dma_start3A_487 = arith.constant 0 : i32
    %dma_start3A_488 = tpu.memref_slice %arg7[%add3A_484, %dma_start3A_487] : memref<204800x128xf32, #tpu.memory_space<hbm>> -> memref<128x128xf32, #tpu.memory_space<hbm>>
    tpu.enqueue_dma source(%arg11 : memref<128x128xf32, #tpu.memory_space<vmem>>) target(%dma_start3A_488 : memref<128x128xf32, #tpu.memory_space<hbm>>) target_semaphore(%arg19 : memref<!tpu.dma_semaphore, #tpu.memory_space<semaphore_mem>>)
    %dma_wait3A_489 = arith.constant 0 : i32
    %dma_wait3A_490 = arith.constant 0 : i32
    %dma_wait3A_491 = tpu.memref_slice %arg7[%dma_wait3A_489, %dma_wait3A_490] : memref<204800x128xf32, #tpu.memory_space<hbm>> -> memref<128x128xf32, #tpu.memory_space<hbm>>
    %dma_wait3A_492 = arith.constant 0 : i32
    %dma_wait3A_493 = arith.constant 0 : i32
    %dma_wait3A_494 = tpu.memref_slice %arg7[%dma_wait3A_492, %dma_wait3A_493] : memref<204800x128xf32, #tpu.memory_space<hbm>> -> memref<128x128xf32, #tpu.memory_space<hbm>>
    tpu.wait_dma2 semaphore(%arg18 : memref<!tpu.dma_semaphore, #tpu.memory_space<semaphore_mem>>) src(%arg10 : memref<128x128xf32, #tpu.memory_space<vmem>>) dst(%dma_wait3A_494 : memref<128x128xf32, #tpu.memory_space<hbm>>)
    %dma_wait3A_495 = arith.constant 0 : i32
    %dma_wait3A_496 = arith.constant 0 : i32
    %dma_wait3A_497 = tpu.memref_slice %arg7[%dma_wait3A_495, %dma_wait3A_496] : memref<204800x128xf32, #tpu.memory_space<hbm>> -> memref<128x128xf32, #tpu.memory_space<hbm>>
    %dma_wait3A_498 = arith.constant 0 : i32
    %dma_wait3A_499 = arith.constant 0 : i32
    %dma_wait3A_500 = tpu.memref_slice %arg7[%dma_wait3A_498, %dma_wait3A_499] : memref<204800x128xf32, #tpu.memory_space<hbm>> -> memref<128x128xf32, #tpu.memory_space<hbm>>
    tpu.wait_dma2 semaphore(%arg19 : memref<!tpu.dma_semaphore, #tpu.memory_space<semaphore_mem>>) src(%arg11 : memref<128x128xf32, #tpu.memory_space<vmem>>) dst(%dma_wait3A_500 : memref<128x128xf32, #tpu.memory_space<hbm>>)
    %dma_wait3A_501 = arith.constant 0 : i32
    %dma_wait3A_502 = arith.constant 0 : i32
    %dma_wait3A_503 = tpu.memref_slice %arg7[%dma_wait3A_501, %dma_wait3A_502] : memref<204800x128xf32, #tpu.memory_space<hbm>> -> memref<128x128xf32, #tpu.memory_space<hbm>>
    %dma_wait3A_504 = arith.constant 0 : i32
    %dma_wait3A_505 = arith.constant 0 : i32
    %dma_wait3A_506 = tpu.memref_slice %arg7[%dma_wait3A_504, %dma_wait3A_505] : memref<204800x128xf32, #tpu.memory_space<hbm>> -> memref<128x128xf32, #tpu.memory_space<hbm>>
    tpu.wait_dma2 semaphore(%arg20 : memref<!tpu.dma_semaphore, #tpu.memory_space<semaphore_mem>>) src(%arg12 : memref<128x128xf32, #tpu.memory_space<vmem>>) dst(%dma_wait3A_506 : memref<128x128xf32, #tpu.memory_space<hbm>>)
    %dma_wait3A_507 = arith.constant 0 : i32
    %dma_wait3A_508 = arith.constant 0 : i32
    %dma_wait3A_509 = tpu.memref_slice %arg7[%dma_wait3A_507, %dma_wait3A_508] : memref<204800x128xf32, #tpu.memory_space<hbm>> -> memref<128x128xf32, #tpu.memory_space<hbm>>
    %dma_wait3A_510 = arith.constant 0 : i32
    %dma_wait3A_511 = arith.constant 0 : i32
    %dma_wait3A_512 = tpu.memref_slice %arg7[%dma_wait3A_510, %dma_wait3A_511] : memref<204800x128xf32, #tpu.memory_space<hbm>> -> memref<128x128xf32, #tpu.memory_space<hbm>>
    tpu.wait_dma2 semaphore(%arg21 : memref<!tpu.dma_semaphore, #tpu.memory_space<semaphore_mem>>) src(%arg13 : memref<128x128xf32, #tpu.memory_space<vmem>>) dst(%dma_wait3A_512 : memref<128x128xf32, #tpu.memory_space<hbm>>)
    return
  }
}

</mosaic_0001>

<sc_bundles>
// kernel: kernel.3.cloned.1.call-start
scs
__scs_entry_jumppad:
0x0: {  	(pc) =	sbr.rel $0x88, $3  }
0x1: {  	(tag) =	ssettag $0x0;
	lr =	simm.s32 $0x1  }
0x2: {  	[smem:$0x3F9C] =	sst lr;
	_ =	strace $0xD0000000  }
0x3: {  	_ = 	snop  }
0x4: {  	_ = 	snop  }
0x5: {  	_ = 	snop  }
0x6: {  	_ = 	snop  }
0x7: {  	_ = 	snop  }
__scs_overlays_trampoline_lowered:
0x8: {  	[smem:$0x3FAB] =	sst s0  }
0x9: {  	[smem:$0x3FAC] =	sst s1  }
0xa: {  	[smem:$0x3FAD] =	sst s2  }
0xb: {  	[smem:$0x3FAE] =	sst s3  }
0xc: {  	[smem:$0x3FAF] =	sst s4  }
0xd: {  	[smem:$0x3FB0] =	sst s5  }
0xe: {  	[smem:$0x3FB1] =	sst s6  }
0xf: {  	[smem:$0x3FB2] =	sst s7  }
0x10: {  	[smem:$0x3FB3] =	sst s8  }
0x11: {  	[smem:$0x3FB4] =	sst s9;
	s0 =	simm.s32 @!p0 $0x0  }
0x12: {  	s1 =	sld [smem:$0x3F9A];
	s0 =	simm.s32 @p0 $0x1  }
0x13: {  	[smem:$0x3FB5] =	sst s0;
	s0 =	simm.s32 @!p1 $0x0  }
0x14: {  	s2 =	sld [smem:$0x3F99];
	s0 =	simm.s32 @p1 $0x1  }
0x15: {  	[smem:$0x3FB6] =	sst s0;
	s0 =	simm.s32 @!p2 $0x0  }
0x16: {  	s3 =	sld [smem:$0x3FDB];
	s0 =	simm.s32 @p2 $0x1  }
0x17: {  	s4 =	simm.s32 $0x1BF5;
	[smem:$0x3FB8] =	sst s0  }
0x18: {  	s0 =	sld [smem:$0x3F9B];
	_ =	swait.ge [sflag:s4], $0x0  }
0x19: {  	s7 =	sld [smem:$0x3F9C]  }
0x1a: {  	s8 =	sadd.s32 $0xFFFFE003, lr  }
0x1b: {  	s9 =	sadd.s32 $0xFFFFFEF7, lr;
	s5 =	simm.s32 $0xFFFFFFFF;
	p2 =	slt.u32 s8, $0xFFFFF086  }
0x1c: {  	p1 =	slt.u32 s9, $0xF7A;
	s5 =	simm.s32 @!p2 $0x0  }
0x1d: {  	s5 =	simm.s32 @p1 $0x1;
	p0 =	seq.s32 s7, s2  }
0x1e: {  	s7 =	smul.u32 @!p0 $0xF7A, s2;
	p2 =	seq.s32 @!p0 s5, $0x0  }
0x1f: {  	s9 =	smul.u32 $0xF7A, s1;
	s8 =	simm.s32 @!p0 $0x1BF5;
	p2 =	por !p2, p0  }
0x20: {  	[sflag:s8] =	ssyncset.s32 @!p0 $0xFFFFF086;
	s6 =	sadd.s32 @!p0 s3, s7;
	s7 =	simm.s32 @!p0 $0x108  }
0x21: {  	s3 =	sadd.s32 s3, s9;
	s6 =	sadd.s32 @!p0 $0x88, s6;
	s7 =	simm.s32 @p2 $0x1082  }
0x22: {  	[simem:s7], [sflag:s8] =	dma.local @!p0 [hbm:s6], $0xF7A  }
0x23: {  	s9 =	sor.u32 $0xD0000000, s2;
	s6 =	simm.s32 $0x108;
	_ =	swait.ge @!p0 [sflag:s8], $0x0  }
0x24: {  	s3 =	sadd.s32 $0x88, s3;
	s6 =	simm.s32 @!p1 $0x1082;
	[sflag:s4] =	ssyncset.s32 $0xFFFFF086  }
0x25: {  	[simem:s6], [sflag:s4] =	dma.local [hbm:s3], $0xF7A  }
0x26: {  	[smem:$0x3F9C] =	sst s1;
	(tag) =	ssettag s2;
	_ =	strace s9  }
0x27: {  	s1 =	sld [smem:$0x3FAC]  }
0x28: {  	s2 =	sld [smem:$0x3FAD]  }
0x29: {  	s4 =	sld [smem:$0x3FAF]  }
0x2a: {  	p0 =	seq.s32 s5, $0x0;
	s5 =	sld [smem:$0x3FB0]  }
0x2b: {  	s6 =	sld [smem:$0x3FB1]  }
0x2c: {  	s7 =	sld [smem:$0x3FB2]  }
0x2d: {  	s3 =	simm.s32 $0x108;
	s8 =	sld [smem:$0x3FB3]  }
0x2e: {  	s3 =	simm.s32 @!p0 $0x1082;
	s9 =	sld [smem:$0x3FB4]  }
0x2f: {  	lr =	sadd.s32 s0, s3;
	s0 =	sld [smem:$0x3FAB]  }
0x30: {  	s3 =	sld [smem:$0x3FAE]  }
0x31: {  	[smem:$0x3FB7] =	sst s10  }
0x32: {  	s10 =	sld [smem:$0x3FB5];
	_ =	sdelay $0x3  }
0x33: {  	p0 =	seq.s32 s10, $0x1;
	s10 =	sld [smem:$0x3FB7];
	_ =	sdelay $0x3  }
0x34: {  	[smem:$0x3FB7] =	sst s10  }
0x35: {  	s10 =	sld [smem:$0x3FB6];
	_ =	sdelay $0x3  }
0x36: {  	p1 =	seq.s32 s10, $0x1;
	s10 =	sld [smem:$0x3FB7];
	_ =	sdelay $0x3  }
0x37: {  	[smem:$0x3FB7] =	sst s10  }
0x38: {  	s10 =	sld [smem:$0x3FB8]  }
0x39: {  	_ = 	snop;
	(pc) =	sbr.ind lr, $3  }
0x3a: {  	_ = 	snop  }
0x3b: {  	_ = 	snop  }
0x3c: {  	p2 =	seq.s32 s10, $0x1;
	s10 =	sld [smem:$0x3FB7]  }
0x3d: {  	_ =	shalt  }
0x3e: {  	_ =	shalt  }
0x3f: {  	_ =	shalt  }
0x40: {  	_ =	shalt  }
0x41: {  	_ =	shalt  }
0x42: {  	_ =	shalt  }
0x43: {  	_ =	shalt  }
0x44: {  	_ =	shalt  }
0x45: {  	_ =	shalt  }
0x46: {  	_ =	shalt  }
0x47: {  	_ =	shalt  }
0x48: {  	_ =	shalt  }
0x49: {  	_ =	shalt  }
0x4a: {  	_ =	shalt  }
0x4b: {  	_ =	shalt  }
0x4c: {  	_ =	shalt  }
0x4d: {  	_ =	shalt  }
0x4e: {  	_ =	shalt  }
0x4f: {  	_ =	shalt  }
0x50: {  	_ =	shalt  }
0x51: {  	_ =	shalt  }
0x52: {  	_ =	shalt  }
0x53: {  	_ =	shalt  }
0x54: {  	_ =	shalt  }
0x55: {  	_ =	shalt  }
0x56: {  	_ =	shalt  }
0x57: {  	_ =	shalt  }
0x58: {  	_ =	shalt  }
0x59: {  	_ =	shalt  }
0x5a: {  	_ =	shalt  }
0x5b: {  	_ =	shalt  }
0x5c: {  	_ =	shalt  }
0x5d: {  	_ =	shalt  }
0x5e: {  	_ =	shalt  }
0x5f: {  	_ =	shalt  }
0x60: {  	_ =	shalt  }
0x61: {  	_ =	shalt  }
0x62: {  	_ =	shalt  }
0x63: {  	_ =	shalt  }
0x64: {  	_ =	shalt  }
0x65: {  	_ =	shalt  }
0x66: {  	_ =	shalt  }
0x67: {  	_ =	shalt  }
0x68: {  	_ =	shalt  }
0x69: {  	_ =	shalt  }
0x6a: {  	_ =	shalt  }
0x6b: {  	_ =	shalt  }
0x6c: {  	_ =	shalt  }
0x6d: {  	_ =	shalt  }
0x6e: {  	_ =	shalt  }
0x6f: {  	_ =	shalt  }
0x70: {  	_ =	shalt  }
0x71: {  	_ =	shalt  }
0x72: {  	_ =	shalt  }
0x73: {  	_ =	shalt  }
0x74: {  	_ =	shalt  }
0x75: {  	_ =	shalt  }
0x76: {  	_ =	shalt  }
0x77: {  	_ =	shalt  }
0x78: {  	_ =	shalt  }
0x79: {  	_ =	shalt  }
0x7a: {  	_ =	shalt  }
0x7b: {  	_ =	shalt  }
0x7c: {  	_ =	shalt  }
0x7d: {  	_ =	shalt  }
0x7e: {  	_ =	shalt  }
0x7f: {  	_ =	shalt  }
0x80: {  	_ =	shalt  }
0x81: {  	_ =	shalt  }
0x82: {  	_ =	shalt  }
0x83: {  	_ =	shalt  }
0x84: {  	_ =	shalt  }
0x85: {  	_ =	shalt  }
0x86: {  	_ =	shalt  }
0x87: {  	_ =	shalt  }
.Lfunc_end0:
.L_simem_size_0:
called_computation_lowered:
.L_overlay_start_0:
0x88: {  	s2 =	sld [smem:$0x3FD9]  }
0x89: {  	s3 =	sld [smem:$0x3FFE];
	_ =	sdelay $0x1  }
0x8a: {  	s1 =	srdreg.scid  }
0x8b: {  	s0 =	sand.u32 $0x1, s1  }
0x8c: {  	s17 =	sshll.u32 s0, $0xA;
	s2 =	sadd.s32 s3, s2  }
0x8d: {  	s2 =	sadd.s32 s2, s17  }
0x8e: {  	[smem:$0x3FC3] =	sst s2  }
0x8f: {  	_ = 	snop  }
0x90: {  	s2 =	sld [smem:$0x3FC8]  }
0x91: {  	s18 =	sld [smem:$0x3FC7]  }
0x92: {  	s4 =	sld [smem:$0x3FC6]  }
0x93: {  	s5 =	sld [smem:$0x3FC5]  }
0x94: {  	s6 =	sld [smem:$0x3FD0];
	(tm) =	ssettm $0x1  }
0x95: {  	s7 =	sld [smem:$0x3FFB];
	_ =	sdelay $0x3  }
0x96: {  	_ =	strace s7  }
0x97: {  	s7 =	sld [smem:$0x3FFC];
	_ =	sdelay $0x3  }
0x98: {  	_ =	strace s7  }
0x99: {  	s7 =	sld [smem:$0x3FFD];
	_ =	sdelay $0x3  }
0x9a: {  	_ =	strace s7  }
0x9b: {  	_ =	strace $0x8FFFFFFF  }
0x9c: {  	s19 =	sld [smem:$0x3FDB];
	_ =	sdelay $0x1  }
0x9d: {  	s8 =	simm.s32 $_scs_section_size  }
0x9e: {  	s9 =	simm.s32 $_size__tile_overlayer_lowered;
	s10 =	simm.s32 $_tile_overlayer_lowered  }
0x9f: {  	s22 =	simm.s32 $0x1BFF;
	s21 =	sshll.u32 s10, $0x1;
	s7 =	sadd.s32 s8, s19  }
0xa0: {  	s11 =	simm.s32 $0x0;
	s20 =	sshll.u32 s9, $0x1;
	s9 =	sadd.s32 s21, s7  }
0xa1: {  	[timem:s11], [sflag:s22] =	dma.local [hbm:s9], s20  }
0xa2: {  	_ =	swait.ge [sflag:s22], s20  }
0xa3: {  	s8 =	ssub.s32 $0x0, s20;
	[sflag:s22] =	ssyncset.done $0x0  }
0xa4: {  	[sflag:s22] =	ssyncadd.s32 s8;
	_ =	sdelay $0x1  }
0xa5: {  	s23 =	simm.s32 $0x1B8B  }
0xa6: {  	_ =	swait.ge [sflag:s23], $0x1  }
0xa7: {  	[sflag:s23] =	ssyncset.done $0x0  }
0xa8: {  	s25 =	simm.s32 $0x1B8E;
	s24 =	sld [smem:$0x3FFE];
	[sflag:s23] =	ssyncadd.s32 $0xFFFFFFFF  }
0xa9: {  	s26 =	simm.s32 $execute0_lowered;
	[smem:$0x3FD2] =	sst s25  }
0xaa: {  	s9 =	sshll.u32 s26, $0x1;
	_ =	strace $0x80000046;
	[dreg:$0x1] =	wrdreg $0xFFFFFFFF  }
0xab: {  	s28 =	simm.s32 $_size_execute0_lowered;
	s7 =	sadd.s32 s7, s9;
	[dreg:$0x0] =	wrdreg $0x0  }
0xac: {  	s9 =	sshll.u32 s28, $0x1;
	[dreg:$0x2] =	wrdreg s7  }
0xad: {  	[dreg:$0x3] =	wrdreg s9  }
0xae: {  	[dreg:$0x4] =	wrdreg $0xC0  }
0xaf: {  	_ =	task [dreg:s11], $0x5FFFF  }
0xb0: {  	[dreg:$0x1] =	wrdreg $0xFFFFFFFF  }
0xb1: {  	[dreg:$0x0] =	wrdreg $0x60  }
0xb2: {  	[dreg:$0x2] =	wrdreg s2  }
0xb3: {  	[dreg:$0x3] =	wrdreg s18  }
0xb4: {  	[dreg:$0x4] =	wrdreg s4  }
0xb5: {  	[dreg:$0x5] =	wrdreg s5  }
0xb6: {  	[dreg:$0x6] =	wrdreg s24  }
0xb7: {  	[dreg:$0x7] =	wrdreg s6  }
0xb8: {  	[dreg:$0x8] =	wrdreg $0x64000  }
0xb9: {  	[dreg:$0x9] =	wrdreg $0x9  }
0xba: {  	_ =	task.clear_ibuf [dreg:s11], $0xAFFFF;
	_ =	strace $0x90000046  }
0xbb: {  	s29 =	simm.s32 $0x9;
	_ =	strace $0x80000048  }
0xbc: {  	_ =	swait.ge [sflag:s29], $0x1  }
0xbd: {  	[sflag:s29] =	ssyncadd.s32 $0xFFFFFFFF  }
0xbe: {  	_ =	strace $0x90000048  }
0xbf: {  	_ =	sfence  }
0xc0: {  	s30 =	sld [smem:$0x0];
	_ =	sdelay $0x2  }
0xc1: {  	s31 =	sshll.u32 s1, $0xD;
	s1 =	sshrl.u32 s1, $0x2  }
0xc2: {  	s3 =	sand.u32 $0x4000, s31;
	s1 =	sadd.s32 s1, s30  }
0xc3: {  	s0 =	sor.u32 s3, s0;
	s1 =	sshll.u32 s1, $0x11  }
0xc4: {  	s0 =	sor.u32 s1, s0  }
0xc5: {  	s0 =	sadd.s32 $0x8F2B, s0  }
0xc6: {  	[sflag:s0] =	ssyncadd.remote.s32 $0x1  }
0xc7: {  	_ =	sfence.sel $0xFFFF  }
0xc8: {  	[dreg:$0x0] =	wrdreg $0xFFFFFFFF;
	(pc) =	sbr.abs _section_cstart, $3  }
0xc9: {  	[dreg:$0x1] =	wrdreg $0xFFFFFFFF  }
0xca: {  	_ =	task.clear_ibuf [dreg:s11], $0x2FFFF;
	_ =	strace $0x9FFFFFFF  }
0xcb: {  	(tm) =	ssettm $0x7FFFFFFF  }
tec
execute0_lowered:
.L_overlay_start_1:
0x0: {  	(tag) =	ssettag $0x1  }
0x1: {  	s0 =	rddreg [dreg:$0x0]  }
0x2: {  	s1 =	rddreg [dreg:$0x1]  }
0x3: {  	s2 =	rddreg [dreg:$0x2]  }
0x4: {  	s3 =	rddreg [dreg:$0x3]  }
0x5: {  	s5 =	rddreg [dreg:$0x4]  }
0x6: {  	s4 =	rddreg [dreg:$0x5];
	s7 =	srdreg.scid  }
0x7: {  	s11 =	stileid.u32;
	s6 =	rddreg [dreg:$0x6];
	s28 =	simm.s32 $0xE100  }
0x8: {  	s29 =	simm.s32 $0x12100;
	s31 =	simm.s32 $0x16100;
	s26 =	smul.u32 $0x190000, s11  }
0x9: {  	s30 =	simm.s32 $0x1A100;
	s12 =	sand.u32 $0x1, s7;
	s22 =	smul.u32 $0x32000, s11  }
0xa: {  	s8 =	sshll.u32 s11, $0x1;
	s7 =	simm.s32 $0x0;
	s19 =	smul.u32 $0xC8000, s12  }
0xb: {  	p0 =	sne.s32 s11, $0x0;
	s9 =	sor.u32 s12, s8;
	s23 =	smul.u32 $0x19000, s12  }
0xc: {  	s11 =	simm.s32 $0x2;
	[smem:$0x7FF] =	sst s7;
	s8 =	smul.u32 $0xC80, s9  }
0xd: {  	s10 =	ssub.s32 $0x2, s12;
	_ =	strace $0x80000047;
	s13 =	smul.u32 $0x19000, s9  }
0xe: {  	s24 =	sshrl.u32 s10, $0x1;
	s15 =	smul.u32 $0xC8000, s9;
	s9 =	sadd.s32 $0x3E800, s6  }
0xf: {  	s14 =	ssub.s32 s10, s24;
	s10 =	sadd.s32 $0x5DC00, s6;
	s5 =	sadd.s32 s8, s5  }
0x10: {  	s8 =	sadd.s32 $0x1F400, s6;
	s16 =	sadd.s32 s4, s13;
	s25 =	sshrl.u32 s15, $0x3  }
0x11: {  	s24 =	smax.u32 s14, $0x1;
	s13 =	simm.s32 $0x3;
	[dreg:$0x9] =	wrdreg s16  }
0x12: {  	s14 =	simm.s32 $0x4;
	s5 =	sadd.s32 $0x400, s5;
	[dreg:$0xf] =	wrdreg s24  }
0x13: {  	s18 =	sadd.s32 $0x800, s16;
	[dreg:$0x8] =	wrdreg s5;
	s5 =	sadd.s32 s4, s25  }
0x14: {  	s15 =	simm.s32 $0x5;
	[dreg:$0xa] =	wrdreg s18;
	s20 =	sadd.s32 $0x1000, s5  }
0x15: {  	s16 =	simm.s32 $0x6;
	s21 =	sadd.s32 $0x1800, s5;
	[dreg:$0xb] =	wrdreg s20  }
0x16: {  	s25 =	sadd.s32 s19, s26;
	s17 =	sadd.s32 $0x18000, s5;
	[dreg:$0xc] =	wrdreg s21  }
0x17: {  	s26 =	sadd.s32 s22, s4;
	s5 =	sadd.s32 $0x18800, s5;
	[dreg:$0xd] =	wrdreg s17  }
0x18: {  	s12 =	sadd.s32 $0x10000, s25;
	[dreg:$0xe] =	wrdreg s5;
	s5 =	sadd.s32 s23, s26  }
0x19: {  	[dreg:$0x10] =	wrdreg s12;
	s24 =	sadd.s32 $0x3800, s5;
	s5 =	sshrl.u32 @!p0 s6, $0x3  }
0x1a: {  	s18 =	simm.s32 $0x8;
	[dreg:$0x11] =	wrdreg s5;
	s5 =	sshrl.u32 @!p0 s8, $0x3  }
0x1b: {  	s26 =	simm.s32 $0x80;
	[dreg:$0x12] =	wrdreg s5;
	s5 =	sshrl.u32 @!p0 s9, $0x3  }
0x1c: {  	s17 =	simm.s32 $0x7;
	[dreg:$0x13] =	wrdreg s5;
	s5 =	sshrl.u32 @!p0 s10, $0x3  }
0x1d: {  	s12 =	simm.s32 $0x0;
	[dreg:$0x14] =	wrdreg s5;
	s5 =	simm.s32 $0x1  }
.LBB2_1:
0x1e: {  	s20 =	simm.s32 @!p0 $0x1C09;
	s19 =	rddreg [dreg:$0x11];
	s21 =	simm.s32 @!p0 $0x9  }
0x1f: {  	[spmem:s19], [sflag:s20] =	dma.local @!p0 [hbm:s0], $0x3E80  }
0x20: {  	_ =	swait.ge @!p0 [sflag:s21], $0x3E80  }
0x21: {  	[sflag:s21] =	ssyncset.done @!p0 $0x0  }
0x22: {  	s19 =	rddreg [dreg:$0x12];
	[sflag:s21] =	ssyncadd.s32 @!p0 $0xFFFFC180  }
0x23: {  	[spmem:s19], [sflag:s20] =	dma.local @!p0 [hbm:s1], $0x3E80  }
0x24: {  	_ =	swait.ge @!p0 [sflag:s21], $0x3E80  }
0x25: {  	[sflag:s21] =	ssyncset.done @!p0 $0x0  }
0x26: {  	s19 =	rddreg [dreg:$0x13];
	[sflag:s21] =	ssyncadd.s32 @!p0 $0xFFFFC180  }
0x27: {  	[spmem:s19], [sflag:s20] =	dma.local @!p0 [hbm:s2], $0x3E80  }
0x28: {  	_ =	swait.ge @!p0 [sflag:s21], $0x3E80  }
0x29: {  	[sflag:s21] =	ssyncset.done @!p0 $0x0  }
0x2a: {  	s19 =	rddreg [dreg:$0x14];
	[sflag:s21] =	ssyncadd.s32 @!p0 $0xFFFFC180  }
0x2b: {  	[spmem:s19], [sflag:s20] =	dma.local @!p0 [hbm:s3], $0x3E80  }
0x2c: {  	_ =	swait.ge @!p0 [sflag:s21], $0x3E80  }
0x2d: {  	[sflag:s21] =	ssyncset.done @!p0 $0x0  }
0x2e: {  	s22 =	simm.s32 $0x9;
	[sflag:s21] =	ssyncadd.s32 @!p0 $0xFFFFC180;
	s21 =	rddreg [dreg:$0x8]  }
0x2f: {  	[tilespmem:s7], [sflag:$0x9] =	stream.linear.gather [hbm4b:s21+s7], $0x6400, $0x38;
	[tilespmem:$0x1E100] =	vst v63  }
0x30: {  	_ =	swait.ge [sflag:s22], $0x6400  }
0x31: {  	[sflag:s22] =	ssyncset.done $0x0  }
0x32: {  	[sflag:s22] =	ssyncadd.s32 $0xFFFF9C00  }
0x33: {  	[bflag:$0x0] =	sbarrier.arrive $0xFFFF  }
0x34: {  	[tilespmem:s28], [sflag:$0x1] =	stream.indirect.gather [spmem:s6], $0x80, s7, s26, $0xb8;
	[tilespmem:$0x1E100] =	vst v63  }
0x35: {  	_ = 	snop  }
0x36: {  	[tilespmem:s29], [sflag:$0x2] =	stream.indirect.gather [spmem:s6], $0x80, s26, s26, $0xb8;
	[tilespmem:$0x1E100] =	vst v63  }
0x37: {  	s23 =	simm.s32 $0x100  }
0x38: {  	[tilespmem:s31], [sflag:$0x3] =	stream.indirect.gather [hbm4b:s0+s26], $0x80, s23, s26, $0xb8;
	[tilespmem:$0x1E100] =	vst v63  }
0x39: {  	s25 =	simm.s32 $0x180  }
0x3a: {  	[tilespmem:s30], [sflag:$0x4] =	stream.indirect.gather [hbm4b:s0+s26], $0x80, s25, s26, $0xb8;
	[tilespmem:$0x1E100] =	vst v63  }
0x3b: {  	_ =	swait.ge [sflag:s5], $0x4000  }
0x3c: {  	[sflag:s5] =	ssyncset.done $0x0  }
0x3d: {  	s20 =	simm.s32 $0x1900;
	[sflag:s5] =	ssyncadd.s32 $0xFFFFC000  }
0x3e: {  	[tilespmem:s28], [sflag:$0x1] =	stream.indirect.gather.add.f32 [spmem:s8], $0x80, s20, s26, $0xb8;
	[tilespmem:$0x1E100] =	vst v63  }
0x3f: {  	_ =	swait.ge [sflag:s11], $0x4000  }
0x40: {  	[sflag:s11] =	ssyncset.done $0x0  }
0x41: {  	s21 =	simm.s32 $0x1980;
	[sflag:s11] =	ssyncadd.s32 $0xFFFFC000  }
0x42: {  	[tilespmem:s29], [sflag:$0x2] =	stream.indirect.gather.add.f32 [spmem:s8], $0x80, s21, s26, $0xb8;
	[tilespmem:$0x1E100] =	vst v63  }
0x43: {  	_ =	swait.ge [sflag:s13], $0x4000  }
0x44: {  	[sflag:s13] =	ssyncset.done $0x0  }
0x45: {  	s22 =	simm.s32 $0x1A00;
	[sflag:s13] =	ssyncadd.s32 $0xFFFFC000  }
0x46: {  	[tilespmem:s31], [sflag:$0x3] =	stream.indirect.gather.add.f32 [hbm:s1], $0x80, s22, s26, $0xb8;
	[tilespmem:$0x1E100] =	vst v63  }
0x47: {  	_ =	swait.ge [sflag:s14], $0x4000  }
0x48: {  	[sflag:s14] =	ssyncset.done $0x0  }
0x49: {  	s23 =	simm.s32 $0x1A80;
	[sflag:s14] =	ssyncadd.s32 $0xFFFFC000  }
0x4a: {  	[tilespmem:s30], [sflag:$0x4] =	stream.indirect.gather.add.f32 [hbm:s1], $0x80, s23, s26, $0xb8;
	[tilespmem:$0x1E100] =	vst v63  }
0x4b: {  	_ =	swait.ge [sflag:s5], $0x4000  }
0x4c: {  	[sflag:s5] =	ssyncset.done $0x0  }
0x4d: {  	s25 =	simm.s32 $0x3200;
	[sflag:s5] =	ssyncadd.s32 $0xFFFFC000  }
0x4e: {  	[tilespmem:s28], [sflag:$0x1] =	stream.indirect.gather.add.f32 [spmem:s9], $0x80, s25, s26, $0xb8;
	[tilespmem:$0x1E100] =	vst v63  }
0x4f: {  	_ =	swait.ge [sflag:s11], $0x4000  }
0x50: {  	[sflag:s11] =	ssyncset.done $0x0  }
0x51: {  	s20 =	simm.s32 $0x3280;
	[sflag:s11] =	ssyncadd.s32 $0xFFFFC000  }
0x52: {  	[tilespmem:s29], [sflag:$0x2] =	stream.indirect.gather.add.f32 [spmem:s9], $0x80, s20, s26, $0xb8;
	[tilespmem:$0x1E100] =	vst v63  }
0x53: {  	_ =	swait.ge [sflag:s13], $0x4000  }
0x54: {  	[sflag:s13] =	ssyncset.done $0x0  }
0x55: {  	s21 =	simm.s32 $0x3300;
	[sflag:s13] =	ssyncadd.s32 $0xFFFFC000  }
0x56: {  	[tilespmem:s31], [sflag:$0x3] =	stream.indirect.gather.add.f32 [hbm:s2], $0x80, s21, s26, $0xb8;
	[tilespmem:$0x1E100] =	vst v63  }
0x57: {  	_ =	swait.ge [sflag:s14], $0x4000  }
0x58: {  	[sflag:s14] =	ssyncset.done $0x0  }
0x59: {  	s22 =	simm.s32 $0x3380;
	[sflag:s14] =	ssyncadd.s32 $0xFFFFC000  }
0x5a: {  	[tilespmem:s30], [sflag:$0x4] =	stream.indirect.gather.add.f32 [hbm:s2], $0x80, s22, s26, $0xb8;
	[tilespmem:$0x1E100] =	vst v63  }
0x5b: {  	_ =	swait.ge [sflag:s5], $0x4000  }
0x5c: {  	[sflag:s5] =	ssyncset.done $0x0  }
0x5d: {  	s23 =	simm.s32 $0x4B00;
	[sflag:s5] =	ssyncadd.s32 $0xFFFFC000  }
0x5e: {  	[tilespmem:s28], [sflag:$0x1] =	stream.indirect.gather.add.f32 [spmem:s10], $0x80, s23, s26, $0xb8;
	[tilespmem:$0x1E100] =	vst v63  }
0x5f: {  	_ =	swait.ge [sflag:s11], $0x4000  }
0x60: {  	[sflag:s11] =	ssyncset.done $0x0  }
0x61: {  	s25 =	simm.s32 $0x4B80;
	[sflag:s11] =	ssyncadd.s32 $0xFFFFC000  }
0x62: {  	[tilespmem:s29], [sflag:$0x2] =	stream.indirect.gather.add.f32 [spmem:s10], $0x80, s25, s26, $0xb8;
	[tilespmem:$0x1E100] =	vst v63  }
0x63: {  	_ =	swait.ge [sflag:s13], $0x4000  }
0x64: {  	[sflag:s13] =	ssyncset.done $0x0  }
0x65: {  	s20 =	simm.s32 $0x4C00;
	[sflag:s13] =	ssyncadd.s32 $0xFFFFC000  }
0x66: {  	[tilespmem:s31], [sflag:$0x3] =	stream.indirect.gather.add.f32 [hbm:s3], $0x80, s20, s26, $0xb8;
	[tilespmem:$0x1E100] =	vst v63  }
0x67: {  	_ =	swait.ge [sflag:s14], $0x4000  }
0x68: {  	[sflag:s14] =	ssyncset.done $0x0  }
0x69: {  	s21 =	simm.s32 $0x4C80;
	[sflag:s14] =	ssyncadd.s32 $0xFFFFC000  }
0x6a: {  	[tilespmem:s30], [sflag:$0x4] =	stream.indirect.gather.add.f32 [hbm:s3], $0x80, s21, s26, $0xb8;
	[tilespmem:$0x1E100] =	vst v63  }
0x6b: {  	_ =	swait.ge [sflag:s5], $0x4000  }
0x6c: {  	[sflag:s5] =	ssyncset.done $0x0  }
0x6d: {  	s22 =	rddreg [dreg:$0x9];
	[sflag:s5] =	ssyncadd.s32 $0xFFFFC000  }
0x6e: {  	[hbm4b:s22+s7] =	stream.linear.scatter [tilespmem:s28], [sflag:$0x5], $0x4000, $0x38;
	[tilespmem:$0x1E100] =	vst v63  }
0x6f: {  	_ =	swait.ge [sflag:s11], $0x4000  }
0x70: {  	[sflag:s11] =	ssyncset.done $0x0  }
0x71: {  	s23 =	rddreg [dreg:$0xa];
	[sflag:s11] =	ssyncadd.s32 $0xFFFFC000  }
0x72: {  	[hbm4b:s23+s7] =	stream.linear.scatter [tilespmem:s29], [sflag:$0x6], $0x4000, $0x38;
	[tilespmem:$0x1E100] =	vst v63  }
0x73: {  	_ =	swait.ge [sflag:s13], $0x4000  }
0x74: {  	[sflag:s13] =	ssyncset.done $0x0  }
0x75: {  	s25 =	rddreg [dreg:$0xb];
	[sflag:s13] =	ssyncadd.s32 $0xFFFFC000  }
0x76: {  	[hbm4b:s25+s7] =	stream.linear.scatter [tilespmem:s31], [sflag:$0x7], $0x4000, $0x38;
	[tilespmem:$0x1E100] =	vst v63  }
0x77: {  	_ =	swait.ge [sflag:s14], $0x4000  }
0x78: {  	[sflag:s14] =	ssyncset.done $0x0  }
0x79: {  	s20 =	rddreg [dreg:$0xc];
	[sflag:s14] =	ssyncadd.s32 $0xFFFFC000  }
0x7a: {  	[hbm4b:s20+s7] =	stream.linear.scatter [tilespmem:s30], [sflag:$0x8], $0x4000, $0x38;
	[tilespmem:$0x1E100] =	vst v63  }
0x7b: {  	_ =	swait.ge [sflag:s15], $0x4000  }
0x7c: {  	[sflag:s15] =	ssyncset.done $0x0  }
0x7d: {  	[sflag:s15] =	ssyncadd.s32 $0xFFFFC000  }
0x7e: {  	_ =	swait.ge [sflag:s16], $0x4000  }
0x7f: {  	[sflag:s16] =	ssyncset.done $0x0  }
0x80: {  	[sflag:s16] =	ssyncadd.s32 $0xFFFFC000  }
0x81: {  	_ =	swait.ge [sflag:s17], $0x4000  }
0x82: {  	[sflag:s17] =	ssyncset.done $0x0  }
0x83: {  	[sflag:s17] =	ssyncadd.s32 $0xFFFFC000  }
0x84: {  	_ =	swait.ge [sflag:s18], $0x4000  }
0x85: {  	[sflag:s18] =	ssyncset.done $0x0  }
0x86: {  	s21 =	simm.s32 $0x200;
	[sflag:s18] =	ssyncadd.s32 $0xFFFFC000  }
0x87: {  	[tilespmem:s28], [sflag:$0x1] =	stream.indirect.gather [spmem:s6], $0x80, s21, s26, $0xb8;
	[tilespmem:$0x1E100] =	vst v63  }
0x88: {  	s22 =	simm.s32 $0x280  }
0x89: {  	[tilespmem:s29], [sflag:$0x2] =	stream.indirect.gather [spmem:s6], $0x80, s22, s26, $0xb8;
	[tilespmem:$0x1E100] =	vst v63  }
0x8a: {  	s23 =	simm.s32 $0x300  }
0x8b: {  	[tilespmem:s31], [sflag:$0x3] =	stream.indirect.gather [hbm4b:s0+s26], $0x80, s23, s26, $0xb8;
	[tilespmem:$0x1E100] =	vst v63  }
0x8c: {  	s25 =	simm.s32 $0x380  }
0x8d: {  	[tilespmem:s30], [sflag:$0x4] =	stream.indirect.gather [hbm4b:s0+s26], $0x80, s25, s26, $0xb8;
	[tilespmem:$0x1E100] =	vst v63  }
0x8e: {  	_ =	swait.ge [sflag:s5], $0x4000  }
0x8f: {  	[sflag:s5] =	ssyncset.done $0x0  }
0x90: {  	s19 =	simm.s32 $0x1B00;
	[sflag:s5] =	ssyncadd.s32 $0xFFFFC000  }
0x91: {  	[tilespmem:s28], [sflag:$0x1] =	stream.indirect.gather.add.f32 [spmem:s8], $0x80, s19, s26, $0xb8;
	[tilespmem:$0x1E100] =	vst v63  }
0x92: {  	_ =	swait.ge [sflag:s11], $0x4000  }
0x93: {  	[sflag:s11] =	ssyncset.done $0x0  }
0x94: {  	s21 =	simm.s32 $0x1B80;
	[sflag:s11] =	ssyncadd.s32 $0xFFFFC000  }
0x95: {  	[tilespmem:s29], [sflag:$0x2] =	stream.indirect.gather.add.f32 [spmem:s8], $0x80, s21, s26, $0xb8;
	[tilespmem:$0x1E100] =	vst v63  }
0x96: {  	_ =	swait.ge [sflag:s13], $0x4000  }
0x97: {  	[sflag:s13] =	ssyncset.done $0x0  }
0x98: {  	s22 =	simm.s32 $0x1C00;
	[sflag:s13] =	ssyncadd.s32 $0xFFFFC000  }
0x99: {  	[tilespmem:s31], [sflag:$0x3] =	stream.indirect.gather.add.f32 [hbm:s1], $0x80, s22, s26, $0xb8;
	[tilespmem:$0x1E100] =	vst v63  }
0x9a: {  	_ =	swait.ge [sflag:s14], $0x4000  }
0x9b: {  	[sflag:s14] =	ssyncset.done $0x0  }
0x9c: {  	s23 =	simm.s32 $0x1C80;
	[sflag:s14] =	ssyncadd.s32 $0xFFFFC000  }
0x9d: {  	[tilespmem:s30], [sflag:$0x4] =	stream.indirect.gather.add.f32 [hbm:s1], $0x80, s23, s26, $0xb8;
	[tilespmem:$0x1E100] =	vst v63  }
0x9e: {  	_ =	swait.ge [sflag:s5], $0x4000  }
0x9f: {  	[sflag:s5] =	ssyncset.done $0x0  }
0xa0: {  	s25 =	simm.s32 $0x3400;
	[sflag:s5] =	ssyncadd.s32 $0xFFFFC000  }
0xa1: {  	[tilespmem:s28], [sflag:$0x1] =	stream.indirect.gather.add.f32 [spmem:s9], $0x80, s25, s26, $0xb8;
	[tilespmem:$0x1E100] =	vst v63  }
0xa2: {  	_ =	swait.ge [sflag:s11], $0x4000  }
0xa3: {  	[sflag:s11] =	ssyncset.done $0x0  }
0xa4: {  	s19 =	simm.s32 $0x3480;
	[sflag:s11] =	ssyncadd.s32 $0xFFFFC000  }
0xa5: {  	[tilespmem:s29], [sflag:$0x2] =	stream.indirect.gather.add.f32 [spmem:s9], $0x80, s19, s26, $0xb8;
	[tilespmem:$0x1E100] =	vst v63  }
0xa6: {  	_ =	swait.ge [sflag:s13], $0x4000  }
0xa7: {  	[sflag:s13] =	ssyncset.done $0x0  }
0xa8: {  	s21 =	simm.s32 $0x3500;
	[sflag:s13] =	ssyncadd.s32 $0xFFFFC000  }
0xa9: {  	[tilespmem:s31], [sflag:$0x3] =	stream.indirect.gather.add.f32 [hbm:s2], $0x80, s21, s26, $0xb8;
	[tilespmem:$0x1E100] =	vst v63  }
0xaa: {  	_ =	swait.ge [sflag:s14], $0x4000  }
0xab: {  	[sflag:s14] =	ssyncset.done $0x0  }
0xac: {  	s22 =	simm.s32 $0x3580;
	[sflag:s14] =	ssyncadd.s32 $0xFFFFC000  }
0xad: {  	[tilespmem:s30], [sflag:$0x4] =	stream.indirect.gather.add.f32 [hbm:s2], $0x80, s22, s26, $0xb8;
	[tilespmem:$0x1E100] =	vst v63  }
0xae: {  	_ =	swait.ge [sflag:s5], $0x4000  }
0xaf: {  	[sflag:s5] =	ssyncset.done $0x0  }
0xb0: {  	s23 =	simm.s32 $0x4D00;
	[sflag:s5] =	ssyncadd.s32 $0xFFFFC000  }
0xb1: {  	[tilespmem:s28], [sflag:$0x1] =	stream.indirect.gather.add.f32 [spmem:s10], $0x80, s23, s26, $0xb8;
	[tilespmem:$0x1E100] =	vst v63  }
0xb2: {  	_ =	swait.ge [sflag:s11], $0x4000  }
0xb3: {  	[sflag:s11] =	ssyncset.done $0x0  }
0xb4: {  	s25 =	simm.s32 $0x4D80;
	[sflag:s11] =	ssyncadd.s32 $0xFFFFC000  }
0xb5: {  	[tilespmem:s29], [sflag:$0x2] =	stream.indirect.gather.add.f32 [spmem:s10], $0x80, s25, s26, $0xb8;
	[tilespmem:$0x1E100] =	vst v63  }
0xb6: {  	_ =	swait.ge [sflag:s13], $0x4000  }
0xb7: {  	[sflag:s13] =	ssyncset.done $0x0  }
0xb8: {  	s19 =	simm.s32 $0x4E00;
	[sflag:s13] =	ssyncadd.s32 $0xFFFFC000  }
0xb9: {  	[tilespmem:s31], [sflag:$0x3] =	stream.indirect.gather.add.f32 [hbm:s3], $0x80, s19, s26, $0xb8;
	[tilespmem:$0x1E100] =	vst v63  }
0xba: {  	_ =	swait.ge [sflag:s14], $0x4000  }
0xbb: {  	[sflag:s14] =	ssyncset.done $0x0  }
0xbc: {  	s21 =	simm.s32 $0x4E80;
	[sflag:s14] =	ssyncadd.s32 $0xFFFFC000  }
0xbd: {  	[tilespmem:s30], [sflag:$0x4] =	stream.indirect.gather.add.f32 [hbm:s3], $0x80, s21, s26, $0xb8;
	[tilespmem:$0x1E100] =	vst v63  }
0xbe: {  	_ =	swait.ge [sflag:s5], $0x4000  }
0xbf: {  	s19 =	rddreg [dreg:$0x10]  }
0xc0: {  	[sflag:s5] =	ssyncset.done $0x0;
	s22 =	sshrl.u32 s19, $0x3  }
0xc1: {  	[sflag:s5] =	ssyncadd.s32 $0xFFFFC000;
	s20 =	sadd.s32 s4, s22  }
0xc2: {  	[hbm4b:s20+s7] =	stream.linear.scatter [tilespmem:s28], [sflag:$0x5], $0x4000, $0x38;
	[tilespmem:$0x1E100] =	vst v63  }
0xc3: {  	_ =	swait.ge [sflag:s11], $0x4000  }
0xc4: {  	[sflag:s11] =	ssyncset.done $0x0  }
0xc5: {  	s23 =	sadd.s32 $0xFFFFF000, s24;
	[sflag:s11] =	ssyncadd.s32 $0xFFFFC000  }
0xc6: {  	[hbm4b:s23+s7] =	stream.linear.scatter [tilespmem:s29], [sflag:$0x6], $0x4000, $0x38;
	[tilespmem:$0x1E100] =	vst v63  }
0xc7: {  	_ =	swait.ge [sflag:s13], $0x4000  }
0xc8: {  	[sflag:s13] =	ssyncset.done $0x0  }
0xc9: {  	s25 =	sadd.s32 $0xFFFFF800, s24;
	[sflag:s13] =	ssyncadd.s32 $0xFFFFC000  }
0xca: {  	[hbm4b:s25+s7] =	stream.linear.scatter [tilespmem:s31], [sflag:$0x7], $0x4000, $0x38;
	[tilespmem:$0x1E100] =	vst v63  }
0xcb: {  	_ =	swait.ge [sflag:s14], $0x4000  }
0xcc: {  	s21 =	simm.s32 $0x800;
	s22 =	sadd.s32 $0x10000, s19;
	[sflag:s14] =	ssyncset.done $0x0  }
0xcd: {  	s20 =	smov.u32 s24;
	s23 =	sadd.s32 $0x2000, s24;
	[sflag:s14] =	ssyncadd.s32 $0xFFFFC000  }
.LBB2_2:
0xce: {  	[hbm4b:s20+s7] =	stream.linear.scatter [tilespmem:s30], [sflag:$0x8], $0x4000, $0x38;
	[tilespmem:$0x1E100] =	vst v63  }
0xcf: {  	s25 =	smov.u32 s21;
	s20 =	smov.u32 s23  }
0xd0: {  	p1 =	sne.s32 s21, $0x5000;
	s21 =	sadd.s32 $0x800, s21;
	_ =	swait.ge [sflag:s15], $0x4000  }
0xd1: {  	[sflag:s15] =	ssyncset.done $0x0  }
0xd2: {  	[sflag:s15] =	ssyncadd.s32 $0xFFFFC000  }
0xd3: {  	_ =	swait.ge [sflag:s16], $0x4000  }
0xd4: {  	[sflag:s16] =	ssyncset.done $0x0  }
0xd5: {  	[sflag:s16] =	ssyncadd.s32 $0xFFFFC000  }
0xd6: {  	_ =	swait.ge [sflag:s17], $0x4000  }
0xd7: {  	[sflag:s17] =	ssyncset.done $0x0  }
0xd8: {  	[sflag:s17] =	ssyncadd.s32 $0xFFFFC000  }
0xd9: {  	_ =	swait.ge [sflag:s18], $0x4000  }
0xda: {  	s25 =	sshra.s32 s25, $0x2;
	[sflag:s18] =	ssyncset.done $0x0  }
0xdb: {  	s19 =	sadd.s32 $0x200, s25;
	[sflag:s18] =	ssyncadd.s32 $0xFFFFC000  }
0xdc: {  	[tilespmem:s28], [sflag:$0x1] =	stream.indirect.gather [spmem:s6], $0x80, s19, s26, $0xb8;
	[tilespmem:$0x1E100] =	vst v63  }
0xdd: {  	s19 =	sadd.s32 $0x280, s25  }
0xde: {  	[tilespmem:s29], [sflag:$0x2] =	stream.indirect.gather [spmem:s6], $0x80, s19, s26, $0xb8;
	[tilespmem:$0x1E100] =	vst v63  }
0xdf: {  	s19 =	sadd.s32 $0x300, s25  }
0xe0: {  	[tilespmem:s31], [sflag:$0x3] =	stream.indirect.gather [hbm4b:s0+s26], $0x80, s19, s26, $0xb8;
	[tilespmem:$0x1E100] =	vst v63  }
0xe1: {  	s19 =	sadd.s32 $0x380, s25  }
0xe2: {  	[tilespmem:s30], [sflag:$0x4] =	stream.indirect.gather [hbm4b:s0+s26], $0x80, s19, s26, $0xb8;
	[tilespmem:$0x1E100] =	vst v63  }
0xe3: {  	_ =	swait.ge [sflag:s5], $0x4000  }
0xe4: {  	[sflag:s5] =	ssyncset.done $0x0  }
0xe5: {  	s19 =	sadd.s32 $0x1B00, s25;
	[sflag:s5] =	ssyncadd.s32 $0xFFFFC000  }
0xe6: {  	[tilespmem:s28], [sflag:$0x1] =	stream.indirect.gather.add.f32 [spmem:s8], $0x80, s19, s26, $0xb8;
	[tilespmem:$0x1E100] =	vst v63  }
0xe7: {  	_ =	swait.ge [sflag:s11], $0x4000  }
0xe8: {  	[sflag:s11] =	ssyncset.done $0x0  }
0xe9: {  	s19 =	sadd.s32 $0x1B80, s25;
	[sflag:s11] =	ssyncadd.s32 $0xFFFFC000  }
0xea: {  	[tilespmem:s29], [sflag:$0x2] =	stream.indirect.gather.add.f32 [spmem:s8], $0x80, s19, s26, $0xb8;
	[tilespmem:$0x1E100] =	vst v63  }
0xeb: {  	_ =	swait.ge [sflag:s13], $0x4000  }
0xec: {  	[sflag:s13] =	ssyncset.done $0x0  }
0xed: {  	s19 =	sadd.s32 $0x1C00, s25;
	[sflag:s13] =	ssyncadd.s32 $0xFFFFC000  }
0xee: {  	[tilespmem:s31], [sflag:$0x3] =	stream.indirect.gather.add.f32 [hbm:s1], $0x80, s19, s26, $0xb8;
	[tilespmem:$0x1E100] =	vst v63  }
0xef: {  	_ =	swait.ge [sflag:s14], $0x4000  }
0xf0: {  	[sflag:s14] =	ssyncset.done $0x0  }
0xf1: {  	s19 =	sadd.s32 $0x1C80, s25;
	[sflag:s14] =	ssyncadd.s32 $0xFFFFC000  }
0xf2: {  	[tilespmem:s30], [sflag:$0x4] =	stream.indirect.gather.add.f32 [hbm:s1], $0x80, s19, s26, $0xb8;
	[tilespmem:$0x1E100] =	vst v63  }
0xf3: {  	_ =	swait.ge [sflag:s5], $0x4000  }
0xf4: {  	[sflag:s5] =	ssyncset.done $0x0  }
0xf5: {  	s19 =	sadd.s32 $0x3400, s25;
	[sflag:s5] =	ssyncadd.s32 $0xFFFFC000  }
0xf6: {  	[tilespmem:s28], [sflag:$0x1] =	stream.indirect.gather.add.f32 [spmem:s9], $0x80, s19, s26, $0xb8;
	[tilespmem:$0x1E100] =	vst v63  }
0xf7: {  	_ =	swait.ge [sflag:s11], $0x4000  }
0xf8: {  	[sflag:s11] =	ssyncset.done $0x0  }
0xf9: {  	s19 =	sadd.s32 $0x3480, s25;
	[sflag:s11] =	ssyncadd.s32 $0xFFFFC000  }
0xfa: {  	[tilespmem:s29], [sflag:$0x2] =	stream.indirect.gather.add.f32 [spmem:s9], $0x80, s19, s26, $0xb8;
	[tilespmem:$0x1E100] =	vst v63  }
0xfb: {  	_ =	swait.ge [sflag:s13], $0x4000  }
0xfc: {  	[sflag:s13] =	ssyncset.done $0x0  }
0xfd: {  	s19 =	sadd.s32 $0x3500, s25;
	[sflag:s13] =	ssyncadd.s32 $0xFFFFC000  }
0xfe: {  	[tilespmem:s31], [sflag:$0x3] =	stream.indirect.gather.add.f32 [hbm:s2], $0x80, s19, s26, $0xb8;
	[tilespmem:$0x1E100] =	vst v63  }
0xff: {  	_ =	swait.ge [sflag:s14], $0x4000  }
0x100: {  	[sflag:s14] =	ssyncset.done $0x0  }
0x101: {  	s19 =	sadd.s32 $0x3580, s25;
	[sflag:s14] =	ssyncadd.s32 $0xFFFFC000  }
0x102: {  	[tilespmem:s30], [sflag:$0x4] =	stream.indirect.gather.add.f32 [hbm:s2], $0x80, s19, s26, $0xb8;
	[tilespmem:$0x1E100] =	vst v63  }
0x103: {  	_ =	swait.ge [sflag:s5], $0x4000  }
0x104: {  	[sflag:s5] =	ssyncset.done $0x0  }
0x105: {  	s19 =	sadd.s32 $0x4D00, s25;
	[sflag:s5] =	ssyncadd.s32 $0xFFFFC000  }
0x106: {  	[tilespmem:s28], [sflag:$0x1] =	stream.indirect.gather.add.f32 [spmem:s10], $0x80, s19, s26, $0xb8;
	[tilespmem:$0x1E100] =	vst v63  }
0x107: {  	_ =	swait.ge [sflag:s11], $0x4000  }
0x108: {  	[sflag:s11] =	ssyncset.done $0x0  }
0x109: {  	s19 =	sadd.s32 $0x4D80, s25;
	[sflag:s11] =	ssyncadd.s32 $0xFFFFC000  }
0x10a: {  	[tilespmem:s29], [sflag:$0x2] =	stream.indirect.gather.add.f32 [spmem:s10], $0x80, s19, s26, $0xb8;
	[tilespmem:$0x1E100] =	vst v63  }
0x10b: {  	_ =	swait.ge [sflag:s13], $0x4000  }
0x10c: {  	[sflag:s13] =	ssyncset.done $0x0  }
0x10d: {  	s19 =	sadd.s32 $0x4E00, s25;
	[sflag:s13] =	ssyncadd.s32 $0xFFFFC000  }
0x10e: {  	[tilespmem:s31], [sflag:$0x3] =	stream.indirect.gather.add.f32 [hbm:s3], $0x80, s19, s26, $0xb8;
	[tilespmem:$0x1E100] =	vst v63  }
0x10f: {  	_ =	swait.ge [sflag:s14], $0x4000  }
0x110: {  	[sflag:s14] =	ssyncset.done $0x0  }
0x111: {  	s19 =	sadd.s32 $0x4E80, s25;
	[sflag:s14] =	ssyncadd.s32 $0xFFFFC000  }
0x112: {  	[tilespmem:s30], [sflag:$0x4] =	stream.indirect.gather.add.f32 [hbm:s3], $0x80, s19, s26, $0xb8;
	[tilespmem:$0x1E100] =	vst v63  }
0x113: {  	_ =	swait.ge [sflag:s5], $0x4000  }
0x114: {  	s19 =	sshrl.u32 s22, $0x3;
	[sflag:s5] =	ssyncset.done $0x0  }
0x115: {  	s19 =	sadd.s32 s4, s19;
	[sflag:s5] =	ssyncadd.s32 $0xFFFFC000  }
0x116: {  	[hbm4b:s19+s7] =	stream.linear.scatter [tilespmem:s28], [sflag:$0x5], $0x4000, $0x38;
	[tilespmem:$0x1E100] =	vst v63  }
0x117: {  	_ =	swait.ge [sflag:s11], $0x4000  }
0x118: {  	[sflag:s11] =	ssyncset.done $0x0  }
0x119: {  	s19 =	sadd.s32 $0xFFFFF000, s23;
	[sflag:s11] =	ssyncadd.s32 $0xFFFFC000  }
0x11a: {  	[hbm4b:s19+s7] =	stream.linear.scatter [tilespmem:s29], [sflag:$0x6], $0x4000, $0x38;
	[tilespmem:$0x1E100] =	vst v63  }
0x11b: {  	_ =	swait.ge [sflag:s13], $0x4000  }
0x11c: {  	[sflag:s13] =	ssyncset.done $0x0  }
.Ltmp0:
0x11d: {  	s19 =	sadd.s32 $0xFFFFF800, s23;
	[sflag:s13] =	ssyncadd.s32 $0xFFFFC000;
	(pc) =	sbr.rel @p1 .LBB2_2-.Ltmp0, $4  }
0x11e: {  	[hbm4b:s19+s7] =	stream.linear.scatter [tilespmem:s31], [sflag:$0x7], $0x4000, $0x38;
	[tilespmem:$0x1E100] =	vst v63  }
0x11f: {  	_ =	swait.ge [sflag:s14], $0x4000  }
0x120: {  	[sflag:s14] =	ssyncset.done $0x0  }
0x121: {  	s22 =	sadd.s32 $0x10000, s22;
	s23 =	sadd.s32 $0x2000, s23;
	[sflag:s14] =	ssyncadd.s32 $0xFFFFC000  }
0x122: {  	[hbm4b:s20+s7] =	stream.linear.scatter [tilespmem:s30], [sflag:$0x8], $0x4000, $0x38;
	[tilespmem:$0x1E100] =	vst v63  }
0x123: {  	_ =	swait.ge [sflag:s15], $0x4000  }
0x124: {  	[sflag:s15] =	ssyncset.done $0x0  }
0x125: {  	[sflag:s15] =	ssyncadd.s32 $0xFFFFC000  }
0x126: {  	_ =	swait.ge [sflag:s16], $0x4000  }
0x127: {  	[sflag:s16] =	ssyncset.done $0x0  }
0x128: {  	s19 =	simm.s32 $0x1800;
	[sflag:s16] =	ssyncadd.s32 $0xFFFFC000  }
0x129: {  	[tilespmem:s28], [sflag:$0x1] =	stream.indirect.gather [spmem:s6], $0x80, s19, s26, $0xb8;
	[tilespmem:$0x1E100] =	vst v63  }
0x12a: {  	s20 =	simm.s32 $0x1880  }
0x12b: {  	[tilespmem:s29], [sflag:$0x2] =	stream.indirect.gather [spmem:s6], $0x80, s20, s26, $0xb8;
	[tilespmem:$0x1E100] =	vst v63  }
0x12c: {  	_ =	swait.ge [sflag:s5], $0x4000  }
0x12d: {  	[sflag:s5] =	ssyncset.done $0x0  }
0x12e: {  	s21 =	simm.s32 $0x3100;
	[sflag:s5] =	ssyncadd.s32 $0xFFFFC000  }
0x12f: {  	[tilespmem:s28], [sflag:$0x1] =	stream.indirect.gather.add.f32 [spmem:s8], $0x80, s21, s26, $0xb8;
	[tilespmem:$0x1E100] =	vst v63  }
0x130: {  	_ =	swait.ge [sflag:s11], $0x4000  }
0x131: {  	[sflag:s11] =	ssyncset.done $0x0  }
0x132: {  	s22 =	simm.s32 $0x3180;
	[sflag:s11] =	ssyncadd.s32 $0xFFFFC000  }
0x133: {  	[tilespmem:s29], [sflag:$0x2] =	stream.indirect.gather.add.f32 [spmem:s8], $0x80, s22, s26, $0xb8;
	[tilespmem:$0x1E100] =	vst v63  }
0x134: {  	_ =	swait.ge [sflag:s5], $0x4000  }
0x135: {  	[sflag:s5] =	ssyncset.done $0x0  }
0x136: {  	s23 =	simm.s32 $0x4A00;
	[sflag:s5] =	ssyncadd.s32 $0xFFFFC000  }
0x137: {  	[tilespmem:s28], [sflag:$0x1] =	stream.indirect.gather.add.f32 [spmem:s9], $0x80, s23, s26, $0xb8;
	[tilespmem:$0x1E100] =	vst v63  }
0x138: {  	_ =	swait.ge [sflag:s11], $0x4000  }
0x139: {  	[sflag:s11] =	ssyncset.done $0x0  }
0x13a: {  	s25 =	simm.s32 $0x4A80;
	[sflag:s11] =	ssyncadd.s32 $0xFFFFC000  }
0x13b: {  	[tilespmem:s29], [sflag:$0x2] =	stream.indirect.gather.add.f32 [spmem:s9], $0x80, s25, s26, $0xb8;
	[tilespmem:$0x1E100] =	vst v63  }
0x13c: {  	_ =	swait.ge [sflag:s5], $0x4000  }
0x13d: {  	[sflag:s5] =	ssyncset.done $0x0  }
0x13e: {  	s20 =	simm.s32 $0x6300;
	[sflag:s5] =	ssyncadd.s32 $0xFFFFC000  }
0x13f: {  	[tilespmem:s28], [sflag:$0x1] =	stream.indirect.gather.add.f32 [spmem:s10], $0x80, s20, s26, $0xb8;
	[tilespmem:$0x1E100] =	vst v63  }
0x140: {  	_ =	swait.ge [sflag:s11], $0x4000  }
0x141: {  	[sflag:s11] =	ssyncset.done $0x0  }
0x142: {  	s21 =	simm.s32 $0x6380;
	[sflag:s11] =	ssyncadd.s32 $0xFFFFC000  }
0x143: {  	[tilespmem:s29], [sflag:$0x2] =	stream.indirect.gather.add.f32 [spmem:s10], $0x80, s21, s26, $0xb8;
	[tilespmem:$0x1E100] =	vst v63  }
0x144: {  	_ =	swait.ge [sflag:s5], $0x4000  }
0x145: {  	[sflag:s5] =	ssyncset.done $0x0  }
0x146: {  	s22 =	rddreg [dreg:$0xd];
	[sflag:s5] =	ssyncadd.s32 $0xFFFFC000  }
0x147: {  	[hbm4b:s22+s7] =	stream.linear.scatter [tilespmem:s28], [sflag:$0x5], $0x4000, $0x38;
	[tilespmem:$0x1E100] =	vst v63  }
0x148: {  	_ =	swait.ge [sflag:s11], $0x4000  }
0x149: {  	[sflag:s11] =	ssyncset.done $0x0  }
0x14a: {  	s23 =	rddreg [dreg:$0xe];
	[sflag:s11] =	ssyncadd.s32 $0xFFFFC000  }
0x14b: {  	[hbm4b:s23+s7] =	stream.linear.scatter [tilespmem:s29], [sflag:$0x6], $0x4000, $0x38;
	[tilespmem:$0x1E100] =	vst v63  }
0x14c: {  	_ =	swait.ge [sflag:s15], $0x4000  }
0x14d: {  	[sflag:s15] =	ssyncset.done $0x0  }
0x14e: {  	[sflag:s15] =	ssyncadd.s32 $0xFFFFC000  }
0x14f: {  	_ =	swait.ge [sflag:s16], $0x4000  }
0x150: {  	[sflag:s16] =	ssyncset.done $0x0  }
0x151: {  	[sflag:s16] =	ssyncadd.s32 $0xFFFFC000  }
0x152: {  	_ =	swait.ge [sflag:s17], $0x4000  }
0x153: {  	[sflag:s17] =	ssyncset.done $0x0  }
0x154: {  	[sflag:s17] =	ssyncadd.s32 $0xFFFFC000  }
0x155: {  	_ =	swait.ge [sflag:s18], $0x4000  }
0x156: {  	s12 =	sadd.s32 $0x1, s12;
	s25 =	rddreg [dreg:$0xf]  }
0x157: {  	p1 =	sne.s32 s12, s25  }
.Ltmp1:
0x158: {  	_ = 	snop;
	(pc) =	sbr.rel @p1 .LBB2_1-.Ltmp1, $3  }
0x159: {  	_ =	sdelay $0x1  }
0x15a: {  	[sflag:s18] =	ssyncset.done $0x0  }
0x15b: {  	[sflag:s18] =	ssyncadd.s32 $0xFFFFC000  }
0x15c: {  	_ =	sfence.sel $0x180000  }
0x15d: {  	[bflag:$0x0] =	sbarrier.arrive $0xFFFF  }
0x15e: {  	_ =	strace $0x90000047  }
0x15f: {  	[bflag:$0x2] =	sbarrier.arrive $0xFFFF  }
0x160: {  	s0 =	rddreg [dreg:$0x7]  }
0x161: {  	s0 =	sadd.s32 @!p0 $0x100000, s0  }
0x162: {  	[sflag:s0] =	ssyncadd.tile.s32 @!p0 $0x1;
	_ =	shalt  }
.Lfunc_end2:
_tile_overlayer_lowered:
.L_overlay_start_2:
0x163: {  	(tag) =	ssettag $0x2  }
0x164: {  	s0 =	rddreg [dreg:$0x0];
	s2 =	stileid.u32  }
0x165: {  	s1 =	rddreg [dreg:$0x1];
	p0 =	sne.s32 s2, $0x0  }
0x166: {  	s3 =	rddreg [dreg:$0x2];
	[bflag:$0x3] =	sbarrier.arrive $0xFFFF;
	s2 =	simm.s32 @!p0 $0x1C09  }
0x167: {  	[timem:s3], [sflag:s2] =	dma.local @!p0 [hbm:s0], s1  }
0x168: {  	s0 =	simm.s32 @!p0 $0x9  }
0x169: {  	_ =	swait.ge @!p0 [sflag:s0], s1  }
0x16a: {  	s1 =	ssub.s32 @!p0 $0x0, s1;
	[sflag:s0] =	ssyncset.done @!p0 $0x0  }
0x16b: {  	[sflag:s0] =	ssyncadd.s32 @!p0 s1  }
0x16c: {  	[bflag:$0x3] =	sbarrier.arrive $0xFFFF  }
0x16d: {  	_ =	shalt  }

</sc_bundles>
